<compile_context>
chip_gen: v7x
topology: tpu7x:2x2x1
jax: 0.10.2.dev20260603
libtpu: 0.0.44.dev20260713+nightly
codegen_flags: <defaults>
</compile_context>

<pallas_src>
import functools

import jax
import jax.numpy as jnp
from jax import lax
from jax.experimental import pallas as pl
from jax.experimental.pallas import tpu as pltpu
from jax.experimental.pallas import tpu_sc as plsc

B = 16384
D = 64
NC = 2
NS = 16
NW = NC * NS
L = 16
NV = 1000000
BW = 128
NBLK = -(-NV // BW)
BPT = 248
SEGN = 8192
SEGW = 272
FLUSH = 128
SENT = 0x7FFFFFF0


def _harvest_pass(tab_hbm, n_sorted, sv, ev, segv, blk, stg, eid, out_hbm,
                  sems, n_iters):
    lanes = lax.iota(jnp.int32, L)
    wid = lax.axis_index("s") * NC + lax.axis_index("c")
    b0 = wid * BPT
    nrows = out_hbm.shape[0] - FLUSH

    def fire(b, par):
        @pl.when(jnp.logical_and(b < BPT, b0 + b < NBLK))
        def _():
            off = pl.multiple_of((b0 + b) * BW, BW)
            pltpu.async_copy(tab_hbm.at[:, pl.ds(off, BW)], blk.at[par],
                             sems[par])

    def drain(b, par):
        @pl.when(jnp.logical_and(b < BPT, b0 + b < NBLK))
        def _():
            pltpu.make_async_copy(tab_hbm.at[:, pl.ds(0, BW)], blk.at[par],
                                  sems[par]).wait()

    def scatter():
        pltpu.async_copy(stg, out_hbm.at[eid.at[0]], sems[2]).wait()

    def sanitize(cnt):
        def body_s(i, c):
            pos = i * L + lanes
            cur = eid[0, pl.ds(i * L, L)]
            eid[0, pl.ds(i * L, L)] = jnp.where(pos >= cnt,
                                                nrows + pos, cur)
            return c
        lax.fori_loop(0, FLUSH // L, body_s, 0)

    def extract(par, p, cnt):
        v16 = sv[pl.ds(p, L)]
        e16 = ev[pl.ds(p, L)]
        c = v16[0] & jnp.int32(BW - 1)
        cv = jnp.full((L,), c, jnp.int32)
        for k in range(D // L):
            g = plsc.load_gather(blk.at[par], [k * L + lanes, cv])
            stg[cnt, pl.ds(k * L, L)] = g
        eid[0, pl.ds(cnt, L)] = e16
        cnt = cnt + 1

        @pl.when(cnt == FLUSH)
        def _():
            scatter()

        return jnp.where(cnt == FLUSH, 0, cnt)

    def one_block(gg, b, par, cnt):
        drain(b, par)
        fire(b + 2, par)
        sv16 = segv[pl.ds(2 * gg, L)]
        s0 = sv16[par]
        s1 = sv16[par + 1]

        def body_e(p, c):
            return extract(par, p, c)

        return lax.fori_loop(s0, s1, body_e, cnt)

    def body_seg(q, carry):
        e = (b0 + q * L + lanes) * jnp.int32(BW)
        lo = jnp.zeros((L,), jnp.int32)
        hi = jnp.full((L,), n_sorted + L, jnp.int32)

        def body_bs(it, lh):
            lo2, hi2 = lh
            mid = (lo2 + hi2) >> 1
            v = plsc.load_gather(sv, [mid])
            pred = v < e
            return (jnp.where(pred, mid + 1, lo2), jnp.where(pred, hi2, mid))

        lo, hi = lax.fori_loop(0, n_iters, body_bs, (lo, hi))
        segv[pl.ds(q * L, L)] = lo
        return carry

    lax.fori_loop(0, SEGW // L, body_seg, 0)

    fire(jnp.int32(0), 0)
    fire(jnp.int32(1), 1)

    def body_pair(gg, cnt):
        cnt = one_block(gg, 2 * gg, 0, cnt)
        cnt = one_block(gg, 2 * gg + 1, 1, cnt)
        return cnt

    cnt = lax.fori_loop(0, BPT // 2, body_pair, jnp.int32(0))
    sanitize(cnt)
    scatter()


def _sc_harvest(su, eu, si, ei, eu_hbm, ei_hbm,
                urows_hbm, irows_hbm,
                sv, ev, sgv, blk, stg, eid, sem0, sem1, sem2):
    sems = (sem0, sem1, sem2)

    pltpu.sync_copy(su, sv.at[pl.ds(0, B + L)])
    pltpu.sync_copy(eu, ev.at[pl.ds(0, B + L)])
    _harvest_pass(eu_hbm, B, sv, ev, sgv, blk, stg, eid, urows_hbm, sems, 15)

    pltpu.sync_copy(si, sv)
    pltpu.sync_copy(ei, ev)
    _harvest_pass(ei_hbm, 2 * B, sv, ev, sgv, blk, stg, eid, irows_hbm,
                  sems, 16)


_sc_harvest_call = functools.partial(
    pl.kernel,
    out_type=(jax.ShapeDtypeStruct((B + FLUSH, 2 * D), jnp.float32),
              jax.ShapeDtypeStruct((2 * B + FLUSH, 2 * D), jnp.float32)),
    mesh=plsc.VectorSubcoreMesh(core_axis_name="c", subcore_axis_name="s",
                                num_cores=NC, num_subcores=NS),
    scratch_types=[
        pltpu.VMEM((2 * B + L,), jnp.int32),
        pltpu.VMEM((2 * B + L,), jnp.int32),
        pltpu.VMEM((SEGW,), jnp.int32),
        pltpu.VMEM((2, D, BW), jnp.float32),
        pltpu.VMEM((FLUSH, 2 * D), jnp.float32),
        pltpu.VMEM((2, FLUSH), jnp.int32),
        pltpu.SemaphoreType.DMA,
        pltpu.SemaphoreType.DMA,
        pltpu.SemaphoreType.DMA,
    ],
    compiler_params=pltpu.CompilerParams(needs_layout_passes=False),
    name="bpr_sc_harvest",
)(_sc_harvest)


_TCB = 1024


def _tc_loss_body(u_ref, p_ref, n_ref, o_ref):
    i = pl.program_id(0)
    u = u_ref[:, :D]
    d = p_ref[:, :D] - n_ref[:, :D]
    s = jnp.sum(u * d, axis=-1)
    x = -s
    m = jnp.maximum(x, 0.0)
    sp = m + jnp.log(1.0 + jnp.exp(-jnp.abs(x)))
    part = jnp.sum(sp) * (1.0 / B)

    @pl.when(i == 0)
    def _():
        o_ref[0, 0] = 0.0

    o_ref[0, 0] += part


_tc_loss_call = pl.pallas_call(
    _tc_loss_body,
    out_shape=jax.ShapeDtypeStruct((1, 1), jnp.float32),
    grid=(B // _TCB,),
    in_specs=[
        pl.BlockSpec((_TCB, 2 * D), lambda i: (i, 0)),
        pl.BlockSpec((_TCB, 2 * D), lambda i: (i, 0)),
        pl.BlockSpec((_TCB, 2 * D), lambda i: (B // _TCB + i, 0)),
    ],
    out_specs=pl.BlockSpec(memory_space=pltpu.SMEM),
)


@jax.jit
def kernel(user, pos, neg, labels, embedding_user, embedding_item):
    del labels
    user = user.astype(jnp.int32)
    pos = pos.astype(jnp.int32)
    neg = neg.astype(jnp.int32)

    su, ou = lax.sort_key_val(user, jnp.arange(B, dtype=jnp.int32))
    itv = jnp.concatenate([pos, neg])
    si, oi = lax.sort_key_val(itv, jnp.arange(2 * B, dtype=jnp.int32))


    pad_s = jnp.full((L,), jnp.int32(SENT), jnp.int32)
    su = jnp.concatenate([su, pad_s, jnp.full((B,), jnp.int32(SENT), jnp.int32)])
    ou = jnp.concatenate([ou, pad_s, jnp.full((B,), jnp.int32(SENT), jnp.int32)])
    si = jnp.concatenate([si, pad_s])
    oi = jnp.concatenate([oi, pad_s])

    u_rows, i_rows = _sc_harvest_call(su[:B + L], ou[:B + L], si, oi,
                                      embedding_user.T, embedding_item.T)
    loss = _tc_loss_call(u_rows, i_rows, i_rows)
    return loss[0, 0]

# --- scband reference (transcript-rebuilt; emitter-appended) ---
"""Pipeline reference for scband-bpr-26517128085854 (READ-ONLY COPY).

The authoritative reference and input builder live on the scoring server;
editing this copy changes nothing except your own understanding.
"""

import jax, jax.numpy as jnp
import numpy as np

B = 16384
NUM_USERS = 1000000
NUM_ITEMS = 1000000
D = 64


def setup_inputs(seed: int = 0) -> dict:
    key = jax.random.key(seed)
    k1, k2, k3, k4, k5, k6 = jax.random.split(key, 6)
    user = jax.random.randint(k1, (B,), 0, NUM_USERS)
    pos = jax.random.randint(k2, (B,), 0, NUM_ITEMS)
    neg = jax.random.randint(k3, (B,), 0, NUM_ITEMS)
    labels = jax.random.uniform(k4, (B,), dtype=jnp.float32)
    embedding_user = jax.random.normal(k5, (NUM_USERS, D), dtype=jnp.float32) * 0.1
    embedding_item = jax.random.normal(k6, (NUM_ITEMS, D), dtype=jnp.float32) * 0.1
    return {"user": user, "pos": pos, "neg": neg, "labels": labels,
            "embedding_user": embedding_user, "embedding_item": embedding_item}


def reference(user, pos, neg, labels, embedding_user, embedding_item):
    # BPR.loss: gather user/pos/neg embeddings, dot-product scores, BPR loss
    user_emb = jnp.take(embedding_user, user, axis=0)
    pos_emb = jnp.take(embedding_item, pos, axis=0)
    neg_emb = jnp.take(embedding_item, neg, axis=0)
    pos_score = (user_emb * pos_emb).sum(-1)
    neg_score = (user_emb * neg_emb).sum(-1)
    loss = -jnp.log(jax.nn.sigmoid(pos_score - neg_score)).mean()
    return loss

if __name__ == "__main__":
    import jax
    _d = setup_inputs()
    print(jax.jit(kernel)(*tuple(_d.values())))

</pallas_src>

<mosaic_0001>
#map = affine_map<(d0, d1) -> (0)>
#map1 = affine_map<(d0, d1) -> (0, 0)>
module attributes {stable_mosaic.version = 14 : i64} {
  func.func @bpr_sc_harvest(%arg0: i32, %arg1: i32, %arg2: memref<16400xi32, #tpu.memory_space<hbm>>, %arg3: memref<16400xi32, #tpu.memory_space<hbm>>, %arg4: memref<32784xi32, #tpu.memory_space<hbm>>, %arg5: memref<32784xi32, #tpu.memory_space<hbm>>, %arg6: memref<64x1000000xf32, #tpu.memory_space<hbm>>, %arg7: memref<64x1000000xf32, #tpu.memory_space<hbm>>, %arg8: memref<16512x128xf32, #tpu.memory_space<hbm>>, %arg9: memref<32896x128xf32, #tpu.memory_space<hbm>>, %arg10: memref<32784xi32, #tpu.memory_space<vmem>>, %arg11: memref<32784xi32, #tpu.memory_space<vmem>>, %arg12: memref<272xi32, #tpu.memory_space<vmem>>, %arg13: memref<2x64x128xf32, #tpu.memory_space<vmem>>, %arg14: memref<128x128xf32, #tpu.memory_space<vmem>>, %arg15: memref<2x128xi32, #tpu.memory_space<vmem>>, %arg16: memref<!tpu.dma_semaphore, #tpu.memory_space<semaphore_mem>>, %arg17: memref<!tpu.dma_semaphore, #tpu.memory_space<semaphore_mem>>, %arg18: memref<!tpu.dma_semaphore, #tpu.memory_space<semaphore_mem>>) attributes {dimension_semantics = [#tpu.dimension_semantics<core_parallel>, #tpu.dimension_semantics<subcore_parallel>], iteration_bounds = array<i64: 2, 16>, scalar_prefetch = 0 : i64, scratch_operands = 9 : i64, tpu.core_type = #tpu.core_type<sc_vector_subcore>, window_params = [{transform_indices = #map}, {transform_indices = #map}, {transform_indices = #map}, {transform_indices = #map}, {transform_indices = #map1}, {transform_indices = #map1}, {transform_indices = #map1}, {transform_indices = #map1}]} {
    "tpu.region"() ({
      %run_scoped3A = tpu.sem_alloc : memref<!tpu.dma_semaphore, #tpu.memory_space<semaphore_mem>>
      %dma_start3A_116 = arith.constant 0 : i32
      %dma_start3A_117 = tpu.memref_slice %arg10[%dma_start3A_116] : memref<32784xi32, #tpu.memory_space<vmem>> -> memref<16400xi32, #tpu.memory_space<vmem>>
      %dma_start3A_118 = arith.constant 0 : i32
      %dma_start3A_119 = tpu.memref_slice %arg10[%dma_start3A_118] : memref<32784xi32, #tpu.memory_space<vmem>> -> memref<16400xi32, #tpu.memory_space<vmem>>
      tpu.enqueue_dma source(%arg2 : memref<16400xi32, #tpu.memory_space<hbm>>) target(%dma_start3A_119 : memref<16400xi32, #tpu.memory_space<vmem>>) target_semaphore(%run_scoped3A : memref<!tpu.dma_semaphore, #tpu.memory_space<semaphore_mem>>)
      %dma_wait3A_120 = arith.constant 0 : i32
      %dma_wait3A_121 = tpu.memref_slice %arg10[%dma_wait3A_120] : memref<32784xi32, #tpu.memory_space<vmem>> -> memref<16400xi32, #tpu.memory_space<vmem>>
      %dma_wait3A_122 = arith.constant 0 : i32
      %dma_wait3A_123 = tpu.memref_slice %arg10[%dma_wait3A_122] : memref<32784xi32, #tpu.memory_space<vmem>> -> memref<16400xi32, #tpu.memory_space<vmem>>
      tpu.wait_dma2 semaphore(%run_scoped3A : memref<!tpu.dma_semaphore, #tpu.memory_space<semaphore_mem>>) src(%arg2 : memref<16400xi32, #tpu.memory_space<hbm>>) dst(%dma_wait3A_123 : memref<16400xi32, #tpu.memory_space<vmem>>)
      tpu.yield
    }) : () -> ()
    "tpu.region"() ({
      %run_scoped3A = tpu.sem_alloc : memref<!tpu.dma_semaphore, #tpu.memory_space<semaphore_mem>>
      %dma_start3A_116 = arith.constant 0 : i32
      %dma_start3A_117 = tpu.memref_slice %arg11[%dma_start3A_116] : memref<32784xi32, #tpu.memory_space<vmem>> -> memref<16400xi32, #tpu.memory_space<vmem>>
      %dma_start3A_118 = arith.constant 0 : i32
      %dma_start3A_119 = tpu.memref_slice %arg11[%dma_start3A_118] : memref<32784xi32, #tpu.memory_space<vmem>> -> memref<16400xi32, #tpu.memory_space<vmem>>
      tpu.enqueue_dma source(%arg3 : memref<16400xi32, #tpu.memory_space<hbm>>) target(%dma_start3A_119 : memref<16400xi32, #tpu.memory_space<vmem>>) target_semaphore(%run_scoped3A : memref<!tpu.dma_semaphore, #tpu.memory_space<semaphore_mem>>)
      %dma_wait3A_120 = arith.constant 0 : i32
      %dma_wait3A_121 = tpu.memref_slice %arg11[%dma_wait3A_120] : memref<32784xi32, #tpu.memory_space<vmem>> -> memref<16400xi32, #tpu.memory_space<vmem>>
      %dma_wait3A_122 = arith.constant 0 : i32
      %dma_wait3A_123 = tpu.memref_slice %arg11[%dma_wait3A_122] : memref<32784xi32, #tpu.memory_space<vmem>> -> memref<16400xi32, #tpu.memory_space<vmem>>
      tpu.wait_dma2 semaphore(%run_scoped3A : memref<!tpu.dma_semaphore, #tpu.memory_space<semaphore_mem>>) src(%arg3 : memref<16400xi32, #tpu.memory_space<hbm>>) dst(%dma_wait3A_123 : memref<16400xi32, #tpu.memory_space<vmem>>)
      tpu.yield
    }) : () -> ()
    %iota3A = tpu.iota {dimensions = array<i32: 0>} : vector<16xi32>
    %mul3A = arith.constant 2 : i32
    %mul3A_0 = arith.muli %arg1, %mul3A : i32
    %add3A = arith.addi %mul3A_0, %arg0 : i32
    %mul3A_1 = arith.constant 248 : i32
    %mul3A_2 = arith.muli %add3A, %mul3A_1 : i32
    %scan3A = arith.constant 0 : i32
    %scan3A_3 = arith.constant 0 : i32
    %scan3A_4 = arith.constant 17 : i32
    %scan3A_5 = arith.addi %scan3A_3, %scan3A_4 : i32
    %scan3A_6 = arith.constant 1 : i32
    scf.for %scan3A_116 = %scan3A_3 to %scan3A_5 step %scan3A_6  : i32 {
      %mul3A_117 = arith.constant 16 : i32
      %mul3A_118 = arith.muli %scan3A_116, %mul3A_117 : i32
      %add3A_119 = arith.addi %mul3A_2, %mul3A_118 : i32
      %add3A_120 = vector.broadcast %add3A_119 : i32 to vector<16xi32>
      %add3A_121 = arith.addi %add3A_120, %iota3A : vector<16xi32>
      %mul3A_122 = arith.constant 128 : i32
      %mul3A_123 = vector.broadcast %mul3A_122 : i32 to vector<16xi32>
      %mul3A_124 = arith.muli %add3A_121, %mul3A_123 : vector<16xi32>
      %broadcast_in_dim3A = arith.constant 0 : i32
      %broadcast_in_dim3A_125 = vector.broadcast %broadcast_in_dim3A : i32 to vector<16xi32>
      %broadcast_in_dim3A_126 = arith.constant 16400 : i32
      %broadcast_in_dim3A_127 = vector.broadcast %broadcast_in_dim3A_126 : i32 to vector<16xi32>
      %scan3A_128 = arith.constant 0 : i32
      %scan3A_129 = arith.constant 15 : i32
      %scan3A_130 = arith.addi %scan3A_128, %scan3A_129 : i32
      %scan3A_131 = arith.constant 1 : i32
      %scan3A_132:2 = scf.for %scan3A_137 = %scan3A_128 to %scan3A_130 step %scan3A_131 iter_args(%scan3A_138 = %broadcast_in_dim3A_125, %scan3A_139 = %broadcast_in_dim3A_127) -> (vector<16xi32>, vector<16xi32>)  : i32 {
        %add3A_140 = arith.addi %scan3A_138, %scan3A_139 : vector<16xi32>
        %shift_right_arithmetic3A = arith.constant 1 : i32
        %shift_right_arithmetic3A_141 = vector.broadcast %shift_right_arithmetic3A : i32 to vector<16xi32>
        %shift_right_arithmetic3A_142 = arith.shrsi %add3A_140, %shift_right_arithmetic3A_141 : vector<16xi32>
        %gather3A = tpu.vector_load_idx %arg10[%shift_right_arithmetic3A_142] : memref<32784xi32, #tpu.memory_space<vmem>>[vector<16xi32>], vector<16xi32>,
        %lt3A_143 = arith.cmpi slt, %gather3A, %mul3A_124 : vector<16xi32>
        %add3A_144 = arith.constant 1 : i32
        %add3A_145 = vector.broadcast %add3A_144 : i32 to vector<16xi32>
        %add3A_146 = arith.addi %shift_right_arithmetic3A_142, %add3A_145 : vector<16xi32>
        %select_n3A = arith.select %lt3A_143, %add3A_146, %scan3A_138 : vector<16xi1>, vector<16xi32>
        %select_n3A_147 = arith.select %lt3A_143, %scan3A_139, %shift_right_arithmetic3A_142 : vector<16xi1>, vector<16xi32>
        scf.yield %select_n3A, %select_n3A_147 : vector<16xi32>, vector<16xi32>
      }
      %scan3A_133 = arith.constant 15 : i32
      %mul3A_134 = arith.constant 16 : i32
      %mul3A_135 = arith.muli %scan3A_116, %mul3A_134 : i32
      %swap3A = arith.index_cast %mul3A_135 : i32 to index
      %swap3A_136 = tpu.vector_load %arg12[%swap3A] {strides = array<i32>} : memref<272xi32, #tpu.memory_space<vmem>>, vector<16xi32>,
      tpu.vector_store %arg12[%swap3A], %scan3A_132#0 {strides = array<i32>} : memref<272xi32, #tpu.memory_space<vmem>>, vector<16xi32>,
    }
    %scan3A_7 = arith.constant 17 : i32
    %lt3A = arith.constant 0 : i32
    %lt3A_8 = arith.constant 248 : i32
    %lt3A_9 = arith.cmpi slt, %lt3A, %lt3A_8 : i32
    %add3A_10 = arith.constant 0 : i32
    %add3A_11 = arith.addi %mul3A_2, %add3A_10 : i32
    %lt3A_12 = arith.constant 7813 : i32
    %lt3A_13 = arith.cmpi slt, %add3A_11, %lt3A_12 : i32
    %and3A = arith.andi %lt3A_9, %lt3A_13 : i1
    %convert_element_type3A = arith.extui %and3A : i1 to i32
    %cond3A = arith.constant 0 : i32
    %cond3A_14 = arith.constant 0 : i32
    %cond3A_15 = arith.cmpi ne, %convert_element_type3A, %cond3A_14 : i32
    scf.if %cond3A_15 {
      %add3A_116 = arith.addi %mul3A_2, %cond3A : i32
      %mul3A_117 = arith.constant 128 : i32
      %mul3A_118 = arith.muli %add3A_116, %mul3A_117 : i32
      %multiple_of3A = tpu.assume_multiple %mul3A_118, 128 : i32
      %dma_start3A_119 = arith.constant 0 : i32
      %dma_start3A_120 = arith.constant 0 : i32
      %dma_start3A_121 = arith.constant 0 : i32
      %dma_start3A_122 = tpu.memref_slice %arg13[%dma_start3A_119, %dma_start3A_120, %dma_start3A_121] : memref<2x64x128xf32, #tpu.memory_space<vmem>> -> memref<1x64x128xf32, #tpu.memory_space<vmem>>
      %dma_start3A_123 = tpu.memref_squeeze %dma_start3A_122 : memref<1x64x128xf32, #tpu.memory_space<vmem>> -> memref<64x128xf32, #tpu.memory_space<vmem>>
      %dma_start3A_124 = arith.constant 0 : i32
      %dma_start3A_125 = tpu.memref_slice %arg6[%dma_start3A_124, %multiple_of3A] : memref<64x1000000xf32, #tpu.memory_space<hbm>> -> memref<64x128xf32, #tpu.memory_space<hbm>>
      %dma_start3A_126 = arith.constant 0 : i32
      %dma_start3A_127 = arith.constant 0 : i32
      %dma_start3A_128 = tpu.memref_slice %arg13[%dma_start3A_119, %dma_start3A_126, %dma_start3A_127] : memref<2x64x128xf32, #tpu.memory_space<vmem>> -> memref<1x64x128xf32, #tpu.memory_space<vmem>>
      %dma_start3A_129 = tpu.memref_squeeze %dma_start3A_128 : memref<1x64x128xf32, #tpu.memory_space<vmem>> -> memref<64x128xf32, #tpu.memory_space<vmem>>
      %dma_start3A_130 = arith.constant 0 : i32
      %dma_start3A_131 = tpu.memref_slice %arg6[%dma_start3A_130, %multiple_of3A] : memref<64x1000000xf32, #tpu.memory_space<hbm>> -> memref<64x128xf32, #tpu.memory_space<hbm>>
      tpu.enqueue_dma source(%dma_start3A_131 : memref<64x128xf32, #tpu.memory_space<hbm>>) target(%dma_start3A_129 : memref<64x128xf32, #tpu.memory_space<vmem>>) target_semaphore(%arg16 : memref<!tpu.dma_semaphore, #tpu.memory_space<semaphore_mem>>)
    } else {
    }
    %lt3A_16 = arith.constant 1 : i32
    %lt3A_17 = arith.constant 248 : i32
    %lt3A_18 = arith.cmpi slt, %lt3A_16, %lt3A_17 : i32
    %add3A_19 = arith.constant 1 : i32
    %add3A_20 = arith.addi %mul3A_2, %add3A_19 : i32
    %lt3A_21 = arith.constant 7813 : i32
    %lt3A_22 = arith.cmpi slt, %add3A_20, %lt3A_21 : i32
    %and3A_23 = arith.andi %lt3A_18, %lt3A_22 : i1
    %convert_element_type3A_24 = arith.extui %and3A_23 : i1 to i32
    %cond3A_25 = arith.constant 1 : i32
    %cond3A_26 = arith.constant 0 : i32
    %cond3A_27 = arith.cmpi ne, %convert_element_type3A_24, %cond3A_26 : i32
    scf.if %cond3A_27 {
      %add3A_116 = arith.addi %mul3A_2, %cond3A_25 : i32
      %mul3A_117 = arith.constant 128 : i32
      %mul3A_118 = arith.muli %add3A_116, %mul3A_117 : i32
      %multiple_of3A = tpu.assume_multiple %mul3A_118, 128 : i32
      %dma_start3A_119 = arith.constant 1 : i32
      %dma_start3A_120 = arith.constant 0 : i32
      %dma_start3A_121 = arith.constant 0 : i32
      %dma_start3A_122 = tpu.memref_slice %arg13[%dma_start3A_119, %dma_start3A_120, %dma_start3A_121] : memref<2x64x128xf32, #tpu.memory_space<vmem>> -> memref<1x64x128xf32, #tpu.memory_space<vmem>>
      %dma_start3A_123 = tpu.memref_squeeze %dma_start3A_122 : memref<1x64x128xf32, #tpu.memory_space<vmem>> -> memref<64x128xf32, #tpu.memory_space<vmem>>
      %dma_start3A_124 = arith.constant 0 : i32
      %dma_start3A_125 = tpu.memref_slice %arg6[%dma_start3A_124, %multiple_of3A] : memref<64x1000000xf32, #tpu.memory_space<hbm>> -> memref<64x128xf32, #tpu.memory_space<hbm>>
      %dma_start3A_126 = arith.constant 0 : i32
      %dma_start3A_127 = arith.constant 0 : i32
      %dma_start3A_128 = tpu.memref_slice %arg13[%dma_start3A_119, %dma_start3A_126, %dma_start3A_127] : memref<2x64x128xf32, #tpu.memory_space<vmem>> -> memref<1x64x128xf32, #tpu.memory_space<vmem>>
      %dma_start3A_129 = tpu.memref_squeeze %dma_start3A_128 : memref<1x64x128xf32, #tpu.memory_space<vmem>> -> memref<64x128xf32, #tpu.memory_space<vmem>>
      %dma_start3A_130 = arith.constant 0 : i32
      %dma_start3A_131 = tpu.memref_slice %arg6[%dma_start3A_130, %multiple_of3A] : memref<64x1000000xf32, #tpu.memory_space<hbm>> -> memref<64x128xf32, #tpu.memory_space<hbm>>
      tpu.enqueue_dma source(%dma_start3A_131 : memref<64x128xf32, #tpu.memory_space<hbm>>) target(%dma_start3A_129 : memref<64x128xf32, #tpu.memory_space<vmem>>) target_semaphore(%arg17 : memref<!tpu.dma_semaphore, #tpu.memory_space<semaphore_mem>>)
    } else {
    }
    %scan3A_28 = arith.constant 0 : i32
    %scan3A_29 = arith.constant 0 : i32
    %scan3A_30 = arith.constant 124 : i32
    %scan3A_31 = arith.addi %scan3A_29, %scan3A_30 : i32
    %scan3A_32 = arith.constant 1 : i32
    %scan3A_33 = scf.for %scan3A_116 = %scan3A_29 to %scan3A_31 step %scan3A_32 iter_args(%scan3A_117 = %scan3A_28) -> (i32)  : i32 {
      %mul3A_118 = arith.constant 2 : i32
      %mul3A_119 = arith.muli %mul3A_118, %scan3A_116 : i32
      %lt3A_120 = arith.constant 248 : i32
      %lt3A_121 = arith.cmpi slt, %mul3A_119, %lt3A_120 : i32
      %add3A_122 = arith.addi %mul3A_2, %mul3A_119 : i32
      %lt3A_123 = arith.constant 7813 : i32
      %lt3A_124 = arith.cmpi slt, %add3A_122, %lt3A_123 : i32
      %and3A_125 = arith.andi %lt3A_121, %lt3A_124 : i1
      %convert_element_type3A_126 = arith.extui %and3A_125 : i1 to i32
      %cond3A_127 = arith.constant 0 : i32
      %cond3A_128 = arith.cmpi ne, %convert_element_type3A_126, %cond3A_127 : i32
      scf.if %cond3A_128 {
        %dma_wait3A_196 = arith.constant 0 : i32
        %dma_wait3A_197 = arith.constant 0 : i32
        %dma_wait3A_198 = arith.constant 0 : i32
        %dma_wait3A_199 = tpu.memref_slice %arg13[%dma_wait3A_196, %dma_wait3A_197, %dma_wait3A_198] : memref<2x64x128xf32, #tpu.memory_space<vmem>> -> memref<1x64x128xf32, #tpu.memory_space<vmem>>
        %dma_wait3A_200 = tpu.memref_squeeze %dma_wait3A_199 : memref<1x64x128xf32, #tpu.memory_space<vmem>> -> memref<64x128xf32, #tpu.memory_space<vmem>>
        %dma_wait3A_201 = arith.constant 0 : i32
        %dma_wait3A_202 = arith.constant 0 : i32
        %dma_wait3A_203 = tpu.memref_slice %arg6[%dma_wait3A_201, %dma_wait3A_202] : memref<64x1000000xf32, #tpu.memory_space<hbm>> -> memref<64x128xf32, #tpu.memory_space<hbm>>
        %dma_wait3A_204 = arith.constant 0 : i32
        %dma_wait3A_205 = arith.constant 0 : i32
        %dma_wait3A_206 = tpu.memref_slice %arg13[%dma_wait3A_196, %dma_wait3A_204, %dma_wait3A_205] : memref<2x64x128xf32, #tpu.memory_space<vmem>> -> memref<1x64x128xf32, #tpu.memory_space<vmem>>
        %dma_wait3A_207 = tpu.memref_squeeze %dma_wait3A_206 : memref<1x64x128xf32, #tpu.memory_space<vmem>> -> memref<64x128xf32, #tpu.memory_space<vmem>>
        %dma_wait3A_208 = arith.constant 0 : i32
        %dma_wait3A_209 = arith.constant 0 : i32
        %dma_wait3A_210 = tpu.memref_slice %arg6[%dma_wait3A_208, %dma_wait3A_209] : memref<64x1000000xf32, #tpu.memory_space<hbm>> -> memref<64x128xf32, #tpu.memory_space<hbm>>
        tpu.wait_dma2 semaphore(%arg16 : memref<!tpu.dma_semaphore, #tpu.memory_space<semaphore_mem>>) src(%dma_wait3A_210 : memref<64x128xf32, #tpu.memory_space<hbm>>) dst(%dma_wait3A_207 : memref<64x128xf32, #tpu.memory_space<vmem>>)
      } else {
      }
      %add3A_129 = arith.constant 2 : i32
      %add3A_130 = arith.addi %mul3A_119, %add3A_129 : i32
      %lt3A_131 = arith.constant 248 : i32
      %lt3A_132 = arith.cmpi slt, %add3A_130, %lt3A_131 : i32
      %add3A_133 = arith.addi %mul3A_2, %add3A_130 : i32
      %lt3A_134 = arith.constant 7813 : i32
      %lt3A_135 = arith.cmpi slt, %add3A_133, %lt3A_134 : i32
      %and3A_136 = arith.andi %lt3A_132, %lt3A_135 : i1
      %convert_element_type3A_137 = arith.extui %and3A_136 : i1 to i32
      %cond3A_138 = arith.constant 0 : i32
      %cond3A_139 = arith.cmpi ne, %convert_element_type3A_137, %cond3A_138 : i32
      scf.if %cond3A_139 {
        %add3A_196 = arith.addi %mul3A_2, %add3A_130 : i32
        %mul3A_197 = arith.constant 128 : i32
        %mul3A_198 = arith.muli %add3A_196, %mul3A_197 : i32
        %multiple_of3A = tpu.assume_multiple %mul3A_198, 128 : i32
        %dma_start3A_199 = arith.constant 0 : i32
        %dma_start3A_200 = arith.constant 0 : i32
        %dma_start3A_201 = arith.constant 0 : i32
        %dma_start3A_202 = tpu.memref_slice %arg13[%dma_start3A_199, %dma_start3A_200, %dma_start3A_201] : memref<2x64x128xf32, #tpu.memory_space<vmem>> -> memref<1x64x128xf32, #tpu.memory_space<vmem>>
        %dma_start3A_203 = tpu.memref_squeeze %dma_start3A_202 : memref<1x64x128xf32, #tpu.memory_space<vmem>> -> memref<64x128xf32, #tpu.memory_space<vmem>>
        %dma_start3A_204 = arith.constant 0 : i32
        %dma_start3A_205 = tpu.memref_slice %arg6[%dma_start3A_204, %multiple_of3A] : memref<64x1000000xf32, #tpu.memory_space<hbm>> -> memref<64x128xf32, #tpu.memory_space<hbm>>
        %dma_start3A_206 = arith.constant 0 : i32
        %dma_start3A_207 = arith.constant 0 : i32
        %dma_start3A_208 = tpu.memref_slice %arg13[%dma_start3A_199, %dma_start3A_206, %dma_start3A_207] : memref<2x64x128xf32, #tpu.memory_space<vmem>> -> memref<1x64x128xf32, #tpu.memory_space<vmem>>
        %dma_start3A_209 = tpu.memref_squeeze %dma_start3A_208 : memref<1x64x128xf32, #tpu.memory_space<vmem>> -> memref<64x128xf32, #tpu.memory_space<vmem>>
        %dma_start3A_210 = arith.constant 0 : i32
        %dma_start3A_211 = tpu.memref_slice %arg6[%dma_start3A_210, %multiple_of3A] : memref<64x1000000xf32, #tpu.memory_space<hbm>> -> memref<64x128xf32, #tpu.memory_space<hbm>>
        tpu.enqueue_dma source(%dma_start3A_211 : memref<64x128xf32, #tpu.memory_space<hbm>>) target(%dma_start3A_209 : memref<64x128xf32, #tpu.memory_space<vmem>>) target_semaphore(%arg16 : memref<!tpu.dma_semaphore, #tpu.memory_space<semaphore_mem>>)
      } else {
      }
      %mul3A_140 = arith.constant 2 : i32
      %mul3A_141 = arith.muli %mul3A_140, %scan3A_116 : i32
      %get3A = arith.index_cast %mul3A_141 : i32 to index
      %get3A_142 = tpu.vector_load %arg12[%get3A] {strides = array<i32>} : memref<272xi32, #tpu.memory_space<vmem>>, vector<16xi32>,
      %slice3A = vector.extract_strided_slice %get3A_142 {offsets = [0], sizes = [1], strides = [1]} : vector<16xi32> to vector<1xi32>
      %squeeze3A = vector.extract %slice3A[0] : i32 from vector<1xi32>
      %slice3A_143 = vector.extract_strided_slice %get3A_142 {offsets = [1], sizes = [1], strides = [1]} : vector<16xi32> to vector<1xi32>
      %squeeze3A_144 = vector.extract %slice3A_143[0] : i32 from vector<1xi32>
      %while3A = arith.subi %squeeze3A_144, %squeeze3A : i32
      %while3A_145 = arith.addi %squeeze3A, %while3A : i32
      %while3A_146 = arith.constant 1 : i32
      %while3A_147 = arith.divsi %while3A, %while3A_146 : i32
      %while3A_148 = arith.muli %while3A_147, %while3A_146 : i32
      %while3A_149 = arith.addi %squeeze3A, %while3A_148 : i32
      %while3A_150 = arith.constant 1 : i32
      %while3A_151 = scf.for %while3A_196 = %squeeze3A to %while3A_149 step %while3A_150 iter_args(%while3A_197 = %scan3A_117) -> (i32)  : i32 {
        %get3A_198 = arith.index_cast %while3A_196 : i32 to index
        %get3A_199 = tpu.vector_load %arg10[%get3A_198] {strides = array<i32>} : memref<32784xi32, #tpu.memory_space<vmem>>, vector<16xi32>,
        %get3A_200 = arith.index_cast %while3A_196 : i32 to index
        %get3A_201 = tpu.vector_load %arg11[%get3A_200] {strides = array<i32>} : memref<32784xi32, #tpu.memory_space<vmem>>, vector<16xi32>,
        %slice3A_202 = vector.extract_strided_slice %get3A_199 {offsets = [0], sizes = [1], strides = [1]} : vector<16xi32> to vector<1xi32>
        %squeeze3A_203 = vector.extract %slice3A_202[0] : i32 from vector<1xi32>
        %and3A_204 = arith.constant 127 : i32
        %and3A_205 = arith.andi %squeeze3A_203, %and3A_204 : i32
        %broadcast_in_dim3A = vector.broadcast %and3A_205 : i32 to vector<16xi32>
        %add3A_206 = arith.constant 0 : i32
        %add3A_207 = vector.broadcast %add3A_206 : i32 to vector<16xi32>
        %add3A_208 = arith.addi %add3A_207, %iota3A : vector<16xi32>
        %gather3A = arith.constant 0 : i32
        %gather3A_209 = arith.constant 0 : i32
        %gather3A_210 = arith.constant 0 : i32
        %gather3A_211 = tpu.memref_slice %arg13[%gather3A, %gather3A_209, %gather3A_210] : memref<2x64x128xf32, #tpu.memory_space<vmem>> -> memref<1x64x128xf32, #tpu.memory_space<vmem>>
        %gather3A_212 = tpu.memref_squeeze %gather3A_211 : memref<1x64x128xf32, #tpu.memory_space<vmem>> -> memref<64x128xf32, #tpu.memory_space<vmem>>
        %gather3A_213 = tpu.vector_load_idx %gather3A_212[%add3A_208, %broadcast_in_dim3A] : memref<64x128xf32, #tpu.memory_space<vmem>>[vector<16xi32>, vector<16xi32>], vector<16xf32>,
        %swap3A = arith.index_cast %while3A_197 : i32 to index
        %swap3A_214 = arith.constant 0 : index
        %swap3A_215 = tpu.vector_load %arg14[%swap3A, %swap3A_214] {strides = array<i32>} : memref<128x128xf32, #tpu.memory_space<vmem>>, vector<16xf32>,
        tpu.vector_store %arg14[%swap3A, %swap3A_214], %gather3A_213 {strides = array<i32>} : memref<128x128xf32, #tpu.memory_space<vmem>>, vector<16xf32>,
        %add3A_216 = arith.constant 16 : i32
        %add3A_217 = vector.broadcast %add3A_216 : i32 to vector<16xi32>
        %add3A_218 = arith.addi %add3A_217, %iota3A : vector<16xi32>
        %gather3A_219 = arith.constant 0 : i32
        %gather3A_220 = arith.constant 0 : i32
        %gather3A_221 = arith.constant 0 : i32
        %gather3A_222 = tpu.memref_slice %arg13[%gather3A_219, %gather3A_220, %gather3A_221] : memref<2x64x128xf32, #tpu.memory_space<vmem>> -> memref<1x64x128xf32, #tpu.memory_space<vmem>>
        %gather3A_223 = tpu.memref_squeeze %gather3A_222 : memref<1x64x128xf32, #tpu.memory_space<vmem>> -> memref<64x128xf32, #tpu.memory_space<vmem>>
        %gather3A_224 = tpu.vector_load_idx %gather3A_223[%add3A_218, %broadcast_in_dim3A] : memref<64x128xf32, #tpu.memory_space<vmem>>[vector<16xi32>, vector<16xi32>], vector<16xf32>,
        %swap3A_225 = arith.index_cast %while3A_197 : i32 to index
        %swap3A_226 = arith.constant 16 : index
        %swap3A_227 = tpu.vector_load %arg14[%swap3A_225, %swap3A_226] {strides = array<i32>} : memref<128x128xf32, #tpu.memory_space<vmem>>, vector<16xf32>,
        tpu.vector_store %arg14[%swap3A_225, %swap3A_226], %gather3A_224 {strides = array<i32>} : memref<128x128xf32, #tpu.memory_space<vmem>>, vector<16xf32>,
        %add3A_228 = arith.constant 32 : i32
        %add3A_229 = vector.broadcast %add3A_228 : i32 to vector<16xi32>
        %add3A_230 = arith.addi %add3A_229, %iota3A : vector<16xi32>
        %gather3A_231 = arith.constant 0 : i32
        %gather3A_232 = arith.constant 0 : i32
        %gather3A_233 = arith.constant 0 : i32
        %gather3A_234 = tpu.memref_slice %arg13[%gather3A_231, %gather3A_232, %gather3A_233] : memref<2x64x128xf32, #tpu.memory_space<vmem>> -> memref<1x64x128xf32, #tpu.memory_space<vmem>>
        %gather3A_235 = tpu.memref_squeeze %gather3A_234 : memref<1x64x128xf32, #tpu.memory_space<vmem>> -> memref<64x128xf32, #tpu.memory_space<vmem>>
        %gather3A_236 = tpu.vector_load_idx %gather3A_235[%add3A_230, %broadcast_in_dim3A] : memref<64x128xf32, #tpu.memory_space<vmem>>[vector<16xi32>, vector<16xi32>], vector<16xf32>,
        %swap3A_237 = arith.index_cast %while3A_197 : i32 to index
        %swap3A_238 = arith.constant 32 : index
        %swap3A_239 = tpu.vector_load %arg14[%swap3A_237, %swap3A_238] {strides = array<i32>} : memref<128x128xf32, #tpu.memory_space<vmem>>, vector<16xf32>,
        tpu.vector_store %arg14[%swap3A_237, %swap3A_238], %gather3A_236 {strides = array<i32>} : memref<128x128xf32, #tpu.memory_space<vmem>>, vector<16xf32>,
        %add3A_240 = arith.constant 48 : i32
        %add3A_241 = vector.broadcast %add3A_240 : i32 to vector<16xi32>
        %add3A_242 = arith.addi %add3A_241, %iota3A : vector<16xi32>
        %gather3A_243 = arith.constant 0 : i32
        %gather3A_244 = arith.constant 0 : i32
        %gather3A_245 = arith.constant 0 : i32
        %gather3A_246 = tpu.memref_slice %arg13[%gather3A_243, %gather3A_244, %gather3A_245] : memref<2x64x128xf32, #tpu.memory_space<vmem>> -> memref<1x64x128xf32, #tpu.memory_space<vmem>>
        %gather3A_247 = tpu.memref_squeeze %gather3A_246 : memref<1x64x128xf32, #tpu.memory_space<vmem>> -> memref<64x128xf32, #tpu.memory_space<vmem>>
        %gather3A_248 = tpu.vector_load_idx %gather3A_247[%add3A_242, %broadcast_in_dim3A] : memref<64x128xf32, #tpu.memory_space<vmem>>[vector<16xi32>, vector<16xi32>], vector<16xf32>,
        %swap3A_249 = arith.index_cast %while3A_197 : i32 to index
        %swap3A_250 = arith.constant 48 : index
        %swap3A_251 = tpu.vector_load %arg14[%swap3A_249, %swap3A_250] {strides = array<i32>} : memref<128x128xf32, #tpu.memory_space<vmem>>, vector<16xf32>,
        tpu.vector_store %arg14[%swap3A_249, %swap3A_250], %gather3A_248 {strides = array<i32>} : memref<128x128xf32, #tpu.memory_space<vmem>>, vector<16xf32>,
        %swap3A_252 = arith.constant 0 : i32
        %swap3A_253 = arith.index_cast %swap3A_252 : i32 to index
        %swap3A_254 = arith.index_cast %while3A_197 : i32 to index
        %swap3A_255 = tpu.vector_load %arg15[%swap3A_253, %swap3A_254] {strides = array<i32>} : memref<2x128xi32, #tpu.memory_space<vmem>>, vector<16xi32>,
        tpu.vector_store %arg15[%swap3A_253, %swap3A_254], %get3A_201 {strides = array<i32>} : memref<2x128xi32, #tpu.memory_space<vmem>>, vector<16xi32>,
        %add3A_256 = arith.constant 1 : i32
        %add3A_257 = arith.addi %while3A_197, %add3A_256 : i32
        %eq3A = arith.constant 128 : i32
        %eq3A_258 = arith.cmpi eq, %add3A_257, %eq3A : i32
        %convert_element_type3A_259 = arith.extui %eq3A_258 : i1 to i32
        %cond3A_260 = arith.constant 0 : i32
        %cond3A_261 = arith.cmpi ne, %convert_element_type3A_259, %cond3A_260 : i32
        scf.if %cond3A_261 {
          %dma_start3A_264 = arith.constant 0 : i32
          %dma_start3A_265 = arith.constant 0 : i32
          %dma_start3A_266 = tpu.memref_slice %arg15[%dma_start3A_264, %dma_start3A_265] : memref<2x128xi32, #tpu.memory_space<vmem>> -> memref<1x128xi32, #tpu.memory_space<vmem>>
          %dma_start3A_267 = tpu.memref_squeeze %dma_start3A_266 : memref<1x128xi32, #tpu.memory_space<vmem>> -> memref<128xi32, #tpu.memory_space<vmem>>
          %dma_start3A_268 = arith.constant 0 : i32
          %dma_start3A_269 = arith.constant 0 : i32
          %dma_start3A_270 = tpu.memref_slice %arg8[%dma_start3A_268, %dma_start3A_269] : memref<16512x128xf32, #tpu.memory_space<hbm>> -> memref<16512x128xf32, #tpu.memory_space<hbm>>
          tpu.enqueue_indirect_dma source(%arg14 : memref<128x128xf32, #tpu.memory_space<vmem>>) target(%dma_start3A_270 : memref<16512x128xf32, #tpu.memory_space<hbm>>) offsets(%dma_start3A_267 : memref<128xi32, #tpu.memory_space<vmem>>) semaphore(%arg18 : memref<!tpu.dma_semaphore, #tpu.memory_space<semaphore_mem>>)
          %dma_wait3A_271 = arith.constant 0 : i32
          %dma_wait3A_272 = arith.constant 0 : i32
          %dma_wait3A_273 = tpu.memref_slice %arg15[%dma_wait3A_271, %dma_wait3A_272] : memref<2x128xi32, #tpu.memory_space<vmem>> -> memref<1x128xi32, #tpu.memory_space<vmem>>
          %dma_wait3A_274 = tpu.memref_squeeze %dma_wait3A_273 : memref<1x128xi32, #tpu.memory_space<vmem>> -> memref<128xi32, #tpu.memory_space<vmem>>
          %dma_wait3A_275 = arith.constant 0 : i32
          %dma_wait3A_276 = arith.constant 0 : i32
          %dma_wait3A_277 = tpu.memref_slice %arg8[%dma_wait3A_275, %dma_wait3A_276] : memref<16512x128xf32, #tpu.memory_space<hbm>> -> memref<16512x128xf32, #tpu.memory_space<hbm>>
          tpu.wait_indirect_dma semaphore(%arg18 : memref<!tpu.dma_semaphore, #tpu.memory_space<semaphore_mem>>) src(%arg14 : memref<128x128xf32, #tpu.memory_space<vmem>>) dst(%dma_wait3A_277 : memref<16512x128xf32, #tpu.memory_space<hbm>>)
        } else {
        }
        %eq3A_262 = arith.constant 128 : i32
        %eq3A_263 = arith.cmpi eq, %add3A_257, %eq3A_262 : i32
        %jit3A = arith.constant 0 : i32
        %select_n3A = arith.select %eq3A_263, %jit3A, %add3A_257 : i32
        scf.yield %select_n3A : i32
      }
      %while3A_152 = arith.constant 1 : i32
      %while3A_153 = scf.for %while3A_196 = %while3A_149 to %while3A_145 step %while3A_152 iter_args(%while3A_197 = %while3A_151) -> (i32)  : i32 {
        %get3A_198 = arith.index_cast %while3A_196 : i32 to index
        %get3A_199 = tpu.vector_load %arg10[%get3A_198] {strides = array<i32>} : memref<32784xi32, #tpu.memory_space<vmem>>, vector<16xi32>,
        %get3A_200 = arith.index_cast %while3A_196 : i32 to index
        %get3A_201 = tpu.vector_load %arg11[%get3A_200] {strides = array<i32>} : memref<32784xi32, #tpu.memory_space<vmem>>, vector<16xi32>,
        %slice3A_202 = vector.extract_strided_slice %get3A_199 {offsets = [0], sizes = [1], strides = [1]} : vector<16xi32> to vector<1xi32>
        %squeeze3A_203 = vector.extract %slice3A_202[0] : i32 from vector<1xi32>
        %and3A_204 = arith.constant 127 : i32
        %and3A_205 = arith.andi %squeeze3A_203, %and3A_204 : i32
        %broadcast_in_dim3A = vector.broadcast %and3A_205 : i32 to vector<16xi32>
        %add3A_206 = arith.constant 0 : i32
        %add3A_207 = vector.broadcast %add3A_206 : i32 to vector<16xi32>
        %add3A_208 = arith.addi %add3A_207, %iota3A : vector<16xi32>
        %gather3A = arith.constant 0 : i32
        %gather3A_209 = arith.constant 0 : i32
        %gather3A_210 = arith.constant 0 : i32
        %gather3A_211 = tpu.memref_slice %arg13[%gather3A, %gather3A_209, %gather3A_210] : memref<2x64x128xf32, #tpu.memory_space<vmem>> -> memref<1x64x128xf32, #tpu.memory_space<vmem>>
        %gather3A_212 = tpu.memref_squeeze %gather3A_211 : memref<1x64x128xf32, #tpu.memory_space<vmem>> -> memref<64x128xf32, #tpu.memory_space<vmem>>
        %gather3A_213 = tpu.vector_load_idx %gather3A_212[%add3A_208, %broadcast_in_dim3A] : memref<64x128xf32, #tpu.memory_space<vmem>>[vector<16xi32>, vector<16xi32>], vector<16xf32>,
        %swap3A = arith.index_cast %while3A_197 : i32 to index
        %swap3A_214 = arith.constant 0 : index
        %swap3A_215 = tpu.vector_load %arg14[%swap3A, %swap3A_214] {strides = array<i32>} : memref<128x128xf32, #tpu.memory_space<vmem>>, vector<16xf32>,
        tpu.vector_store %arg14[%swap3A, %swap3A_214], %gather3A_213 {strides = array<i32>} : memref<128x128xf32, #tpu.memory_space<vmem>>, vector<16xf32>,
        %add3A_216 = arith.constant 16 : i32
        %add3A_217 = vector.broadcast %add3A_216 : i32 to vector<16xi32>
        %add3A_218 = arith.addi %add3A_217, %iota3A : vector<16xi32>
        %gather3A_219 = arith.constant 0 : i32
        %gather3A_220 = arith.constant 0 : i32
        %gather3A_221 = arith.constant 0 : i32
        %gather3A_222 = tpu.memref_slice %arg13[%gather3A_219, %gather3A_220, %gather3A_221] : memref<2x64x128xf32, #tpu.memory_space<vmem>> -> memref<1x64x128xf32, #tpu.memory_space<vmem>>
        %gather3A_223 = tpu.memref_squeeze %gather3A_222 : memref<1x64x128xf32, #tpu.memory_space<vmem>> -> memref<64x128xf32, #tpu.memory_space<vmem>>
        %gather3A_224 = tpu.vector_load_idx %gather3A_223[%add3A_218, %broadcast_in_dim3A] : memref<64x128xf32, #tpu.memory_space<vmem>>[vector<16xi32>, vector<16xi32>], vector<16xf32>,
        %swap3A_225 = arith.index_cast %while3A_197 : i32 to index
        %swap3A_226 = arith.constant 16 : index
        %swap3A_227 = tpu.vector_load %arg14[%swap3A_225, %swap3A_226] {strides = array<i32>} : memref<128x128xf32, #tpu.memory_space<vmem>>, vector<16xf32>,
        tpu.vector_store %arg14[%swap3A_225, %swap3A_226], %gather3A_224 {strides = array<i32>} : memref<128x128xf32, #tpu.memory_space<vmem>>, vector<16xf32>,
        %add3A_228 = arith.constant 32 : i32
        %add3A_229 = vector.broadcast %add3A_228 : i32 to vector<16xi32>
        %add3A_230 = arith.addi %add3A_229, %iota3A : vector<16xi32>
        %gather3A_231 = arith.constant 0 : i32
        %gather3A_232 = arith.constant 0 : i32
        %gather3A_233 = arith.constant 0 : i32
        %gather3A_234 = tpu.memref_slice %arg13[%gather3A_231, %gather3A_232, %gather3A_233] : memref<2x64x128xf32, #tpu.memory_space<vmem>> -> memref<1x64x128xf32, #tpu.memory_space<vmem>>
        %gather3A_235 = tpu.memref_squeeze %gather3A_234 : memref<1x64x128xf32, #tpu.memory_space<vmem>> -> memref<64x128xf32, #tpu.memory_space<vmem>>
        %gather3A_236 = tpu.vector_load_idx %gather3A_235[%add3A_230, %broadcast_in_dim3A] : memref<64x128xf32, #tpu.memory_space<vmem>>[vector<16xi32>, vector<16xi32>], vector<16xf32>,
        %swap3A_237 = arith.index_cast %while3A_197 : i32 to index
        %swap3A_238 = arith.constant 32 : index
        %swap3A_239 = tpu.vector_load %arg14[%swap3A_237, %swap3A_238] {strides = array<i32>} : memref<128x128xf32, #tpu.memory_space<vmem>>, vector<16xf32>,
        tpu.vector_store %arg14[%swap3A_237, %swap3A_238], %gather3A_236 {strides = array<i32>} : memref<128x128xf32, #tpu.memory_space<vmem>>, vector<16xf32>,
        %add3A_240 = arith.constant 48 : i32
        %add3A_241 = vector.broadcast %add3A_240 : i32 to vector<16xi32>
        %add3A_242 = arith.addi %add3A_241, %iota3A : vector<16xi32>
        %gather3A_243 = arith.constant 0 : i32
        %gather3A_244 = arith.constant 0 : i32
        %gather3A_245 = arith.constant 0 : i32
        %gather3A_246 = tpu.memref_slice %arg13[%gather3A_243, %gather3A_244, %gather3A_245] : memref<2x64x128xf32, #tpu.memory_space<vmem>> -> memref<1x64x128xf32, #tpu.memory_space<vmem>>
        %gather3A_247 = tpu.memref_squeeze %gather3A_246 : memref<1x64x128xf32, #tpu.memory_space<vmem>> -> memref<64x128xf32, #tpu.memory_space<vmem>>
        %gather3A_248 = tpu.vector_load_idx %gather3A_247[%add3A_242, %broadcast_in_dim3A] : memref<64x128xf32, #tpu.memory_space<vmem>>[vector<16xi32>, vector<16xi32>], vector<16xf32>,
        %swap3A_249 = arith.index_cast %while3A_197 : i32 to index
        %swap3A_250 = arith.constant 48 : index
        %swap3A_251 = tpu.vector_load %arg14[%swap3A_249, %swap3A_250] {strides = array<i32>} : memref<128x128xf32, #tpu.memory_space<vmem>>, vector<16xf32>,
        tpu.vector_store %arg14[%swap3A_249, %swap3A_250], %gather3A_248 {strides = array<i32>} : memref<128x128xf32, #tpu.memory_space<vmem>>, vector<16xf32>,
        %swap3A_252 = arith.constant 0 : i32
        %swap3A_253 = arith.index_cast %swap3A_252 : i32 to index
        %swap3A_254 = arith.index_cast %while3A_197 : i32 to index
        %swap3A_255 = tpu.vector_load %arg15[%swap3A_253, %swap3A_254] {strides = array<i32>} : memref<2x128xi32, #tpu.memory_space<vmem>>, vector<16xi32>,
        tpu.vector_store %arg15[%swap3A_253, %swap3A_254], %get3A_201 {strides = array<i32>} : memref<2x128xi32, #tpu.memory_space<vmem>>, vector<16xi32>,
        %add3A_256 = arith.constant 1 : i32
        %add3A_257 = arith.addi %while3A_197, %add3A_256 : i32
        %eq3A = arith.constant 128 : i32
        %eq3A_258 = arith.cmpi eq, %add3A_257, %eq3A : i32
        %convert_element_type3A_259 = arith.extui %eq3A_258 : i1 to i32
        %cond3A_260 = arith.constant 0 : i32
        %cond3A_261 = arith.cmpi ne, %convert_element_type3A_259, %cond3A_260 : i32
        scf.if %cond3A_261 {
          %dma_start3A_264 = arith.constant 0 : i32
          %dma_start3A_265 = arith.constant 0 : i32
          %dma_start3A_266 = tpu.memref_slice %arg15[%dma_start3A_264, %dma_start3A_265] : memref<2x128xi32, #tpu.memory_space<vmem>> -> memref<1x128xi32, #tpu.memory_space<vmem>>
          %dma_start3A_267 = tpu.memref_squeeze %dma_start3A_266 : memref<1x128xi32, #tpu.memory_space<vmem>> -> memref<128xi32, #tpu.memory_space<vmem>>
          %dma_start3A_268 = arith.constant 0 : i32
          %dma_start3A_269 = arith.constant 0 : i32
          %dma_start3A_270 = tpu.memref_slice %arg8[%dma_start3A_268, %dma_start3A_269] : memref<16512x128xf32, #tpu.memory_space<hbm>> -> memref<16512x128xf32, #tpu.memory_space<hbm>>
          tpu.enqueue_indirect_dma source(%arg14 : memref<128x128xf32, #tpu.memory_space<vmem>>) target(%dma_start3A_270 : memref<16512x128xf32, #tpu.memory_space<hbm>>) offsets(%dma_start3A_267 : memref<128xi32, #tpu.memory_space<vmem>>) semaphore(%arg18 : memref<!tpu.dma_semaphore, #tpu.memory_space<semaphore_mem>>)
          %dma_wait3A_271 = arith.constant 0 : i32
          %dma_wait3A_272 = arith.constant 0 : i32
          %dma_wait3A_273 = tpu.memref_slice %arg15[%dma_wait3A_271, %dma_wait3A_272] : memref<2x128xi32, #tpu.memory_space<vmem>> -> memref<1x128xi32, #tpu.memory_space<vmem>>
          %dma_wait3A_274 = tpu.memref_squeeze %dma_wait3A_273 : memref<1x128xi32, #tpu.memory_space<vmem>> -> memref<128xi32, #tpu.memory_space<vmem>>
          %dma_wait3A_275 = arith.constant 0 : i32
          %dma_wait3A_276 = arith.constant 0 : i32
          %dma_wait3A_277 = tpu.memref_slice %arg8[%dma_wait3A_275, %dma_wait3A_276] : memref<16512x128xf32, #tpu.memory_space<hbm>> -> memref<16512x128xf32, #tpu.memory_space<hbm>>
          tpu.wait_indirect_dma semaphore(%arg18 : memref<!tpu.dma_semaphore, #tpu.memory_space<semaphore_mem>>) src(%arg14 : memref<128x128xf32, #tpu.memory_space<vmem>>) dst(%dma_wait3A_277 : memref<16512x128xf32, #tpu.memory_space<hbm>>)
        } else {
        }
        %eq3A_262 = arith.constant 128 : i32
        %eq3A_263 = arith.cmpi eq, %add3A_257, %eq3A_262 : i32
        %jit3A = arith.constant 0 : i32
        %select_n3A = arith.select %eq3A_263, %jit3A, %add3A_257 : i32
        scf.yield %select_n3A : i32
      }
      %mul3A_154 = arith.constant 2 : i32
      %mul3A_155 = arith.muli %mul3A_154, %scan3A_116 : i32
      %add3A_156 = arith.constant 1 : i32
      %add3A_157 = arith.addi %mul3A_155, %add3A_156 : i32
      %lt3A_158 = arith.constant 248 : i32
      %lt3A_159 = arith.cmpi slt, %add3A_157, %lt3A_158 : i32
      %add3A_160 = arith.addi %mul3A_2, %add3A_157 : i32
      %lt3A_161 = arith.constant 7813 : i32
      %lt3A_162 = arith.cmpi slt, %add3A_160, %lt3A_161 : i32
      %and3A_163 = arith.andi %lt3A_159, %lt3A_162 : i1
      %convert_element_type3A_164 = arith.extui %and3A_163 : i1 to i32
      %cond3A_165 = arith.constant 0 : i32
      %cond3A_166 = arith.cmpi ne, %convert_element_type3A_164, %cond3A_165 : i32
      scf.if %cond3A_166 {
        %dma_wait3A_196 = arith.constant 1 : i32
        %dma_wait3A_197 = arith.constant 0 : i32
        %dma_wait3A_198 = arith.constant 0 : i32
        %dma_wait3A_199 = tpu.memref_slice %arg13[%dma_wait3A_196, %dma_wait3A_197, %dma_wait3A_198] : memref<2x64x128xf32, #tpu.memory_space<vmem>> -> memref<1x64x128xf32, #tpu.memory_space<vmem>>
        %dma_wait3A_200 = tpu.memref_squeeze %dma_wait3A_199 : memref<1x64x128xf32, #tpu.memory_space<vmem>> -> memref<64x128xf32, #tpu.memory_space<vmem>>
        %dma_wait3A_201 = arith.constant 0 : i32
        %dma_wait3A_202 = arith.constant 0 : i32
        %dma_wait3A_203 = tpu.memref_slice %arg6[%dma_wait3A_201, %dma_wait3A_202] : memref<64x1000000xf32, #tpu.memory_space<hbm>> -> memref<64x128xf32, #tpu.memory_space<hbm>>
        %dma_wait3A_204 = arith.constant 0 : i32
        %dma_wait3A_205 = arith.constant 0 : i32
        %dma_wait3A_206 = tpu.memref_slice %arg13[%dma_wait3A_196, %dma_wait3A_204, %dma_wait3A_205] : memref<2x64x128xf32, #tpu.memory_space<vmem>> -> memref<1x64x128xf32, #tpu.memory_space<vmem>>
        %dma_wait3A_207 = tpu.memref_squeeze %dma_wait3A_206 : memref<1x64x128xf32, #tpu.memory_space<vmem>> -> memref<64x128xf32, #tpu.memory_space<vmem>>
        %dma_wait3A_208 = arith.constant 0 : i32
        %dma_wait3A_209 = arith.constant 0 : i32
        %dma_wait3A_210 = tpu.memref_slice %arg6[%dma_wait3A_208, %dma_wait3A_209] : memref<64x1000000xf32, #tpu.memory_space<hbm>> -> memref<64x128xf32, #tpu.memory_space<hbm>>
        tpu.wait_dma2 semaphore(%arg17 : memref<!tpu.dma_semaphore, #tpu.memory_space<semaphore_mem>>) src(%dma_wait3A_210 : memref<64x128xf32, #tpu.memory_space<hbm>>) dst(%dma_wait3A_207 : memref<64x128xf32, #tpu.memory_space<vmem>>)
      } else {
      }
      %add3A_167 = arith.constant 2 : i32
      %add3A_168 = arith.addi %add3A_157, %add3A_167 : i32
      %lt3A_169 = arith.constant 248 : i32
      %lt3A_170 = arith.cmpi slt, %add3A_168, %lt3A_169 : i32
      %add3A_171 = arith.addi %mul3A_2, %add3A_168 : i32
      %lt3A_172 = arith.constant 7813 : i32
      %lt3A_173 = arith.cmpi slt, %add3A_171, %lt3A_172 : i32
      %and3A_174 = arith.andi %lt3A_170, %lt3A_173 : i1
      %convert_element_type3A_175 = arith.extui %and3A_174 : i1 to i32
      %cond3A_176 = arith.constant 0 : i32
      %cond3A_177 = arith.cmpi ne, %convert_element_type3A_175, %cond3A_176 : i32
      scf.if %cond3A_177 {
        %add3A_196 = arith.addi %mul3A_2, %add3A_168 : i32
        %mul3A_197 = arith.constant 128 : i32
        %mul3A_198 = arith.muli %add3A_196, %mul3A_197 : i32
        %multiple_of3A = tpu.assume_multiple %mul3A_198, 128 : i32
        %dma_start3A_199 = arith.constant 1 : i32
        %dma_start3A_200 = arith.constant 0 : i32
        %dma_start3A_201 = arith.constant 0 : i32
        %dma_start3A_202 = tpu.memref_slice %arg13[%dma_start3A_199, %dma_start3A_200, %dma_start3A_201] : memref<2x64x128xf32, #tpu.memory_space<vmem>> -> memref<1x64x128xf32, #tpu.memory_space<vmem>>
        %dma_start3A_203 = tpu.memref_squeeze %dma_start3A_202 : memref<1x64x128xf32, #tpu.memory_space<vmem>> -> memref<64x128xf32, #tpu.memory_space<vmem>>
        %dma_start3A_204 = arith.constant 0 : i32
        %dma_start3A_205 = tpu.memref_slice %arg6[%dma_start3A_204, %multiple_of3A] : memref<64x1000000xf32, #tpu.memory_space<hbm>> -> memref<64x128xf32, #tpu.memory_space<hbm>>
        %dma_start3A_206 = arith.constant 0 : i32
        %dma_start3A_207 = arith.constant 0 : i32
        %dma_start3A_208 = tpu.memref_slice %arg13[%dma_start3A_199, %dma_start3A_206, %dma_start3A_207] : memref<2x64x128xf32, #tpu.memory_space<vmem>> -> memref<1x64x128xf32, #tpu.memory_space<vmem>>
        %dma_start3A_209 = tpu.memref_squeeze %dma_start3A_208 : memref<1x64x128xf32, #tpu.memory_space<vmem>> -> memref<64x128xf32, #tpu.memory_space<vmem>>
        %dma_start3A_210 = arith.constant 0 : i32
        %dma_start3A_211 = tpu.memref_slice %arg6[%dma_start3A_210, %multiple_of3A] : memref<64x1000000xf32, #tpu.memory_space<hbm>> -> memref<64x128xf32, #tpu.memory_space<hbm>>
        tpu.enqueue_dma source(%dma_start3A_211 : memref<64x128xf32, #tpu.memory_space<hbm>>) target(%dma_start3A_209 : memref<64x128xf32, #tpu.memory_space<vmem>>) target_semaphore(%arg17 : memref<!tpu.dma_semaphore, #tpu.memory_space<semaphore_mem>>)
      } else {
      }
      %mul3A_178 = arith.constant 2 : i32
      %mul3A_179 = arith.muli %mul3A_178, %scan3A_116 : i32
      %get3A_180 = arith.index_cast %mul3A_179 : i32 to index
      %get3A_181 = tpu.vector_load %arg12[%get3A_180] {strides = array<i32>} : memref<272xi32, #tpu.memory_space<vmem>>, vector<16xi32>,
      %slice3A_182 = vector.extract_strided_slice %get3A_181 {offsets = [1], sizes = [1], strides = [1]} : vector<16xi32> to vector<1xi32>
      %squeeze3A_183 = vector.extract %slice3A_182[0] : i32 from vector<1xi32>
      %slice3A_184 = vector.extract_strided_slice %get3A_181 {offsets = [2], sizes = [1], strides = [1]} : vector<16xi32> to vector<1xi32>
      %squeeze3A_185 = vector.extract %slice3A_184[0] : i32 from vector<1xi32>
      %while3A_186 = arith.subi %squeeze3A_185, %squeeze3A_183 : i32
      %while3A_187 = arith.addi %squeeze3A_183, %while3A_186 : i32
      %while3A_188 = arith.constant 1 : i32
      %while3A_189 = arith.divsi %while3A_186, %while3A_188 : i32
      %while3A_190 = arith.muli %while3A_189, %while3A_188 : i32
      %while3A_191 = arith.addi %squeeze3A_183, %while3A_190 : i32
      %while3A_192 = arith.constant 1 : i32
      %while3A_193 = scf.for %while3A_196 = %squeeze3A_183 to %while3A_191 step %while3A_192 iter_args(%while3A_197 = %while3A_153) -> (i32)  : i32 {
        %get3A_198 = arith.index_cast %while3A_196 : i32 to index
        %get3A_199 = tpu.vector_load %arg10[%get3A_198] {strides = array<i32>} : memref<32784xi32, #tpu.memory_space<vmem>>, vector<16xi32>,
        %get3A_200 = arith.index_cast %while3A_196 : i32 to index
        %get3A_201 = tpu.vector_load %arg11[%get3A_200] {strides = array<i32>} : memref<32784xi32, #tpu.memory_space<vmem>>, vector<16xi32>,
        %slice3A_202 = vector.extract_strided_slice %get3A_199 {offsets = [0], sizes = [1], strides = [1]} : vector<16xi32> to vector<1xi32>
        %squeeze3A_203 = vector.extract %slice3A_202[0] : i32 from vector<1xi32>
        %and3A_204 = arith.constant 127 : i32
        %and3A_205 = arith.andi %squeeze3A_203, %and3A_204 : i32
        %broadcast_in_dim3A = vector.broadcast %and3A_205 : i32 to vector<16xi32>
        %add3A_206 = arith.constant 0 : i32
        %add3A_207 = vector.broadcast %add3A_206 : i32 to vector<16xi32>
        %add3A_208 = arith.addi %add3A_207, %iota3A : vector<16xi32>
        %gather3A = arith.constant 1 : i32
        %gather3A_209 = arith.constant 0 : i32
        %gather3A_210 = arith.constant 0 : i32
        %gather3A_211 = tpu.memref_slice %arg13[%gather3A, %gather3A_209, %gather3A_210] : memref<2x64x128xf32, #tpu.memory_space<vmem>> -> memref<1x64x128xf32, #tpu.memory_space<vmem>>
        %gather3A_212 = tpu.memref_squeeze %gather3A_211 : memref<1x64x128xf32, #tpu.memory_space<vmem>> -> memref<64x128xf32, #tpu.memory_space<vmem>>
        %gather3A_213 = tpu.vector_load_idx %gather3A_212[%add3A_208, %broadcast_in_dim3A] : memref<64x128xf32, #tpu.memory_space<vmem>>[vector<16xi32>, vector<16xi32>], vector<16xf32>,
        %swap3A = arith.index_cast %while3A_197 : i32 to index
        %swap3A_214 = arith.constant 0 : index
        %swap3A_215 = tpu.vector_load %arg14[%swap3A, %swap3A_214] {strides = array<i32>} : memref<128x128xf32, #tpu.memory_space<vmem>>, vector<16xf32>,
        tpu.vector_store %arg14[%swap3A, %swap3A_214], %gather3A_213 {strides = array<i32>} : memref<128x128xf32, #tpu.memory_space<vmem>>, vector<16xf32>,
        %add3A_216 = arith.constant 16 : i32
        %add3A_217 = vector.broadcast %add3A_216 : i32 to vector<16xi32>
        %add3A_218 = arith.addi %add3A_217, %iota3A : vector<16xi32>
        %gather3A_219 = arith.constant 1 : i32
        %gather3A_220 = arith.constant 0 : i32
        %gather3A_221 = arith.constant 0 : i32
        %gather3A_222 = tpu.memref_slice %arg13[%gather3A_219, %gather3A_220, %gather3A_221] : memref<2x64x128xf32, #tpu.memory_space<vmem>> -> memref<1x64x128xf32, #tpu.memory_space<vmem>>
        %gather3A_223 = tpu.memref_squeeze %gather3A_222 : memref<1x64x128xf32, #tpu.memory_space<vmem>> -> memref<64x128xf32, #tpu.memory_space<vmem>>
        %gather3A_224 = tpu.vector_load_idx %gather3A_223[%add3A_218, %broadcast_in_dim3A] : memref<64x128xf32, #tpu.memory_space<vmem>>[vector<16xi32>, vector<16xi32>], vector<16xf32>,
        %swap3A_225 = arith.index_cast %while3A_197 : i32 to index
        %swap3A_226 = arith.constant 16 : index
        %swap3A_227 = tpu.vector_load %arg14[%swap3A_225, %swap3A_226] {strides = array<i32>} : memref<128x128xf32, #tpu.memory_space<vmem>>, vector<16xf32>,
        tpu.vector_store %arg14[%swap3A_225, %swap3A_226], %gather3A_224 {strides = array<i32>} : memref<128x128xf32, #tpu.memory_space<vmem>>, vector<16xf32>,
        %add3A_228 = arith.constant 32 : i32
        %add3A_229 = vector.broadcast %add3A_228 : i32 to vector<16xi32>
        %add3A_230 = arith.addi %add3A_229, %iota3A : vector<16xi32>
        %gather3A_231 = arith.constant 1 : i32
        %gather3A_232 = arith.constant 0 : i32
        %gather3A_233 = arith.constant 0 : i32
        %gather3A_234 = tpu.memref_slice %arg13[%gather3A_231, %gather3A_232, %gather3A_233] : memref<2x64x128xf32, #tpu.memory_space<vmem>> -> memref<1x64x128xf32, #tpu.memory_space<vmem>>
        %gather3A_235 = tpu.memref_squeeze %gather3A_234 : memref<1x64x128xf32, #tpu.memory_space<vmem>> -> memref<64x128xf32, #tpu.memory_space<vmem>>
        %gather3A_236 = tpu.vector_load_idx %gather3A_235[%add3A_230, %broadcast_in_dim3A] : memref<64x128xf32, #tpu.memory_space<vmem>>[vector<16xi32>, vector<16xi32>], vector<16xf32>,
        %swap3A_237 = arith.index_cast %while3A_197 : i32 to index
        %swap3A_238 = arith.constant 32 : index
        %swap3A_239 = tpu.vector_load %arg14[%swap3A_237, %swap3A_238] {strides = array<i32>} : memref<128x128xf32, #tpu.memory_space<vmem>>, vector<16xf32>,
        tpu.vector_store %arg14[%swap3A_237, %swap3A_238], %gather3A_236 {strides = array<i32>} : memref<128x128xf32, #tpu.memory_space<vmem>>, vector<16xf32>,
        %add3A_240 = arith.constant 48 : i32
        %add3A_241 = vector.broadcast %add3A_240 : i32 to vector<16xi32>
        %add3A_242 = arith.addi %add3A_241, %iota3A : vector<16xi32>
        %gather3A_243 = arith.constant 1 : i32
        %gather3A_244 = arith.constant 0 : i32
        %gather3A_245 = arith.constant 0 : i32
        %gather3A_246 = tpu.memref_slice %arg13[%gather3A_243, %gather3A_244, %gather3A_245] : memref<2x64x128xf32, #tpu.memory_space<vmem>> -> memref<1x64x128xf32, #tpu.memory_space<vmem>>
        %gather3A_247 = tpu.memref_squeeze %gather3A_246 : memref<1x64x128xf32, #tpu.memory_space<vmem>> -> memref<64x128xf32, #tpu.memory_space<vmem>>
        %gather3A_248 = tpu.vector_load_idx %gather3A_247[%add3A_242, %broadcast_in_dim3A] : memref<64x128xf32, #tpu.memory_space<vmem>>[vector<16xi32>, vector<16xi32>], vector<16xf32>,
        %swap3A_249 = arith.index_cast %while3A_197 : i32 to index
        %swap3A_250 = arith.constant 48 : index
        %swap3A_251 = tpu.vector_load %arg14[%swap3A_249, %swap3A_250] {strides = array<i32>} : memref<128x128xf32, #tpu.memory_space<vmem>>, vector<16xf32>,
        tpu.vector_store %arg14[%swap3A_249, %swap3A_250], %gather3A_248 {strides = array<i32>} : memref<128x128xf32, #tpu.memory_space<vmem>>, vector<16xf32>,
        %swap3A_252 = arith.constant 0 : i32
        %swap3A_253 = arith.index_cast %swap3A_252 : i32 to index
        %swap3A_254 = arith.index_cast %while3A_197 : i32 to index
        %swap3A_255 = tpu.vector_load %arg15[%swap3A_253, %swap3A_254] {strides = array<i32>} : memref<2x128xi32, #tpu.memory_space<vmem>>, vector<16xi32>,
        tpu.vector_store %arg15[%swap3A_253, %swap3A_254], %get3A_201 {strides = array<i32>} : memref<2x128xi32, #tpu.memory_space<vmem>>, vector<16xi32>,
        %add3A_256 = arith.constant 1 : i32
        %add3A_257 = arith.addi %while3A_197, %add3A_256 : i32
        %eq3A = arith.constant 128 : i32
        %eq3A_258 = arith.cmpi eq, %add3A_257, %eq3A : i32
        %convert_element_type3A_259 = arith.extui %eq3A_258 : i1 to i32
        %cond3A_260 = arith.constant 0 : i32
        %cond3A_261 = arith.cmpi ne, %convert_element_type3A_259, %cond3A_260 : i32
        scf.if %cond3A_261 {
          %dma_start3A_264 = arith.constant 0 : i32
          %dma_start3A_265 = arith.constant 0 : i32
          %dma_start3A_266 = tpu.memref_slice %arg15[%dma_start3A_264, %dma_start3A_265] : memref<2x128xi32, #tpu.memory_space<vmem>> -> memref<1x128xi32, #tpu.memory_space<vmem>>
          %dma_start3A_267 = tpu.memref_squeeze %dma_start3A_266 : memref<1x128xi32, #tpu.memory_space<vmem>> -> memref<128xi32, #tpu.memory_space<vmem>>
          %dma_start3A_268 = arith.constant 0 : i32
          %dma_start3A_269 = arith.constant 0 : i32
          %dma_start3A_270 = tpu.memref_slice %arg8[%dma_start3A_268, %dma_start3A_269] : memref<16512x128xf32, #tpu.memory_space<hbm>> -> memref<16512x128xf32, #tpu.memory_space<hbm>>
          tpu.enqueue_indirect_dma source(%arg14 : memref<128x128xf32, #tpu.memory_space<vmem>>) target(%dma_start3A_270 : memref<16512x128xf32, #tpu.memory_space<hbm>>) offsets(%dma_start3A_267 : memref<128xi32, #tpu.memory_space<vmem>>) semaphore(%arg18 : memref<!tpu.dma_semaphore, #tpu.memory_space<semaphore_mem>>)
          %dma_wait3A_271 = arith.constant 0 : i32
          %dma_wait3A_272 = arith.constant 0 : i32
          %dma_wait3A_273 = tpu.memref_slice %arg15[%dma_wait3A_271, %dma_wait3A_272] : memref<2x128xi32, #tpu.memory_space<vmem>> -> memref<1x128xi32, #tpu.memory_space<vmem>>
          %dma_wait3A_274 = tpu.memref_squeeze %dma_wait3A_273 : memref<1x128xi32, #tpu.memory_space<vmem>> -> memref<128xi32, #tpu.memory_space<vmem>>
          %dma_wait3A_275 = arith.constant 0 : i32
          %dma_wait3A_276 = arith.constant 0 : i32
          %dma_wait3A_277 = tpu.memref_slice %arg8[%dma_wait3A_275, %dma_wait3A_276] : memref<16512x128xf32, #tpu.memory_space<hbm>> -> memref<16512x128xf32, #tpu.memory_space<hbm>>
          tpu.wait_indirect_dma semaphore(%arg18 : memref<!tpu.dma_semaphore, #tpu.memory_space<semaphore_mem>>) src(%arg14 : memref<128x128xf32, #tpu.memory_space<vmem>>) dst(%dma_wait3A_277 : memref<16512x128xf32, #tpu.memory_space<hbm>>)
        } else {
        }
        %eq3A_262 = arith.constant 128 : i32
        %eq3A_263 = arith.cmpi eq, %add3A_257, %eq3A_262 : i32
        %jit3A = arith.constant 0 : i32
        %select_n3A = arith.select %eq3A_263, %jit3A, %add3A_257 : i32
        scf.yield %select_n3A : i32
      }
      %while3A_194 = arith.constant 1 : i32
      %while3A_195 = scf.for %while3A_196 = %while3A_191 to %while3A_187 step %while3A_194 iter_args(%while3A_197 = %while3A_193) -> (i32)  : i32 {
        %get3A_198 = arith.index_cast %while3A_196 : i32 to index
        %get3A_199 = tpu.vector_load %arg10[%get3A_198] {strides = array<i32>} : memref<32784xi32, #tpu.memory_space<vmem>>, vector<16xi32>,
        %get3A_200 = arith.index_cast %while3A_196 : i32 to index
        %get3A_201 = tpu.vector_load %arg11[%get3A_200] {strides = array<i32>} : memref<32784xi32, #tpu.memory_space<vmem>>, vector<16xi32>,
        %slice3A_202 = vector.extract_strided_slice %get3A_199 {offsets = [0], sizes = [1], strides = [1]} : vector<16xi32> to vector<1xi32>
        %squeeze3A_203 = vector.extract %slice3A_202[0] : i32 from vector<1xi32>
        %and3A_204 = arith.constant 127 : i32
        %and3A_205 = arith.andi %squeeze3A_203, %and3A_204 : i32
        %broadcast_in_dim3A = vector.broadcast %and3A_205 : i32 to vector<16xi32>
        %add3A_206 = arith.constant 0 : i32
        %add3A_207 = vector.broadcast %add3A_206 : i32 to vector<16xi32>
        %add3A_208 = arith.addi %add3A_207, %iota3A : vector<16xi32>
        %gather3A = arith.constant 1 : i32
        %gather3A_209 = arith.constant 0 : i32
        %gather3A_210 = arith.constant 0 : i32
        %gather3A_211 = tpu.memref_slice %arg13[%gather3A, %gather3A_209, %gather3A_210] : memref<2x64x128xf32, #tpu.memory_space<vmem>> -> memref<1x64x128xf32, #tpu.memory_space<vmem>>
        %gather3A_212 = tpu.memref_squeeze %gather3A_211 : memref<1x64x128xf32, #tpu.memory_space<vmem>> -> memref<64x128xf32, #tpu.memory_space<vmem>>
        %gather3A_213 = tpu.vector_load_idx %gather3A_212[%add3A_208, %broadcast_in_dim3A] : memref<64x128xf32, #tpu.memory_space<vmem>>[vector<16xi32>, vector<16xi32>], vector<16xf32>,
        %swap3A = arith.index_cast %while3A_197 : i32 to index
        %swap3A_214 = arith.constant 0 : index
        %swap3A_215 = tpu.vector_load %arg14[%swap3A, %swap3A_214] {strides = array<i32>} : memref<128x128xf32, #tpu.memory_space<vmem>>, vector<16xf32>,
        tpu.vector_store %arg14[%swap3A, %swap3A_214], %gather3A_213 {strides = array<i32>} : memref<128x128xf32, #tpu.memory_space<vmem>>, vector<16xf32>,
        %add3A_216 = arith.constant 16 : i32
        %add3A_217 = vector.broadcast %add3A_216 : i32 to vector<16xi32>
        %add3A_218 = arith.addi %add3A_217, %iota3A : vector<16xi32>
        %gather3A_219 = arith.constant 1 : i32
        %gather3A_220 = arith.constant 0 : i32
        %gather3A_221 = arith.constant 0 : i32
        %gather3A_222 = tpu.memref_slice %arg13[%gather3A_219, %gather3A_220, %gather3A_221] : memref<2x64x128xf32, #tpu.memory_space<vmem>> -> memref<1x64x128xf32, #tpu.memory_space<vmem>>
        %gather3A_223 = tpu.memref_squeeze %gather3A_222 : memref<1x64x128xf32, #tpu.memory_space<vmem>> -> memref<64x128xf32, #tpu.memory_space<vmem>>
        %gather3A_224 = tpu.vector_load_idx %gather3A_223[%add3A_218, %broadcast_in_dim3A] : memref<64x128xf32, #tpu.memory_space<vmem>>[vector<16xi32>, vector<16xi32>], vector<16xf32>,
        %swap3A_225 = arith.index_cast %while3A_197 : i32 to index
        %swap3A_226 = arith.constant 16 : index
        %swap3A_227 = tpu.vector_load %arg14[%swap3A_225, %swap3A_226] {strides = array<i32>} : memref<128x128xf32, #tpu.memory_space<vmem>>, vector<16xf32>,
        tpu.vector_store %arg14[%swap3A_225, %swap3A_226], %gather3A_224 {strides = array<i32>} : memref<128x128xf32, #tpu.memory_space<vmem>>, vector<16xf32>,
        %add3A_228 = arith.constant 32 : i32
        %add3A_229 = vector.broadcast %add3A_228 : i32 to vector<16xi32>
        %add3A_230 = arith.addi %add3A_229, %iota3A : vector<16xi32>
        %gather3A_231 = arith.constant 1 : i32
        %gather3A_232 = arith.constant 0 : i32
        %gather3A_233 = arith.constant 0 : i32
        %gather3A_234 = tpu.memref_slice %arg13[%gather3A_231, %gather3A_232, %gather3A_233] : memref<2x64x128xf32, #tpu.memory_space<vmem>> -> memref<1x64x128xf32, #tpu.memory_space<vmem>>
        %gather3A_235 = tpu.memref_squeeze %gather3A_234 : memref<1x64x128xf32, #tpu.memory_space<vmem>> -> memref<64x128xf32, #tpu.memory_space<vmem>>
        %gather3A_236 = tpu.vector_load_idx %gather3A_235[%add3A_230, %broadcast_in_dim3A] : memref<64x128xf32, #tpu.memory_space<vmem>>[vector<16xi32>, vector<16xi32>], vector<16xf32>,
        %swap3A_237 = arith.index_cast %while3A_197 : i32 to index
        %swap3A_238 = arith.constant 32 : index
        %swap3A_239 = tpu.vector_load %arg14[%swap3A_237, %swap3A_238] {strides = array<i32>} : memref<128x128xf32, #tpu.memory_space<vmem>>, vector<16xf32>,
        tpu.vector_store %arg14[%swap3A_237, %swap3A_238], %gather3A_236 {strides = array<i32>} : memref<128x128xf32, #tpu.memory_space<vmem>>, vector<16xf32>,
        %add3A_240 = arith.constant 48 : i32
        %add3A_241 = vector.broadcast %add3A_240 : i32 to vector<16xi32>
        %add3A_242 = arith.addi %add3A_241, %iota3A : vector<16xi32>
        %gather3A_243 = arith.constant 1 : i32
        %gather3A_244 = arith.constant 0 : i32
        %gather3A_245 = arith.constant 0 : i32
        %gather3A_246 = tpu.memref_slice %arg13[%gather3A_243, %gather3A_244, %gather3A_245] : memref<2x64x128xf32, #tpu.memory_space<vmem>> -> memref<1x64x128xf32, #tpu.memory_space<vmem>>
        %gather3A_247 = tpu.memref_squeeze %gather3A_246 : memref<1x64x128xf32, #tpu.memory_space<vmem>> -> memref<64x128xf32, #tpu.memory_space<vmem>>
        %gather3A_248 = tpu.vector_load_idx %gather3A_247[%add3A_242, %broadcast_in_dim3A] : memref<64x128xf32, #tpu.memory_space<vmem>>[vector<16xi32>, vector<16xi32>], vector<16xf32>,
        %swap3A_249 = arith.index_cast %while3A_197 : i32 to index
        %swap3A_250 = arith.constant 48 : index
        %swap3A_251 = tpu.vector_load %arg14[%swap3A_249, %swap3A_250] {strides = array<i32>} : memref<128x128xf32, #tpu.memory_space<vmem>>, vector<16xf32>,
        tpu.vector_store %arg14[%swap3A_249, %swap3A_250], %gather3A_248 {strides = array<i32>} : memref<128x128xf32, #tpu.memory_space<vmem>>, vector<16xf32>,
        %swap3A_252 = arith.constant 0 : i32
        %swap3A_253 = arith.index_cast %swap3A_252 : i32 to index
        %swap3A_254 = arith.index_cast %while3A_197 : i32 to index
        %swap3A_255 = tpu.vector_load %arg15[%swap3A_253, %swap3A_254] {strides = array<i32>} : memref<2x128xi32, #tpu.memory_space<vmem>>, vector<16xi32>,
        tpu.vector_store %arg15[%swap3A_253, %swap3A_254], %get3A_201 {strides = array<i32>} : memref<2x128xi32, #tpu.memory_space<vmem>>, vector<16xi32>,
        %add3A_256 = arith.constant 1 : i32
        %add3A_257 = arith.addi %while3A_197, %add3A_256 : i32
        %eq3A = arith.constant 128 : i32
        %eq3A_258 = arith.cmpi eq, %add3A_257, %eq3A : i32
        %convert_element_type3A_259 = arith.extui %eq3A_258 : i1 to i32
        %cond3A_260 = arith.constant 0 : i32
        %cond3A_261 = arith.cmpi ne, %convert_element_type3A_259, %cond3A_260 : i32
        scf.if %cond3A_261 {
          %dma_start3A_264 = arith.constant 0 : i32
          %dma_start3A_265 = arith.constant 0 : i32
          %dma_start3A_266 = tpu.memref_slice %arg15[%dma_start3A_264, %dma_start3A_265] : memref<2x128xi32, #tpu.memory_space<vmem>> -> memref<1x128xi32, #tpu.memory_space<vmem>>
          %dma_start3A_267 = tpu.memref_squeeze %dma_start3A_266 : memref<1x128xi32, #tpu.memory_space<vmem>> -> memref<128xi32, #tpu.memory_space<vmem>>
          %dma_start3A_268 = arith.constant 0 : i32
          %dma_start3A_269 = arith.constant 0 : i32
          %dma_start3A_270 = tpu.memref_slice %arg8[%dma_start3A_268, %dma_start3A_269] : memref<16512x128xf32, #tpu.memory_space<hbm>> -> memref<16512x128xf32, #tpu.memory_space<hbm>>
          tpu.enqueue_indirect_dma source(%arg14 : memref<128x128xf32, #tpu.memory_space<vmem>>) target(%dma_start3A_270 : memref<16512x128xf32, #tpu.memory_space<hbm>>) offsets(%dma_start3A_267 : memref<128xi32, #tpu.memory_space<vmem>>) semaphore(%arg18 : memref<!tpu.dma_semaphore, #tpu.memory_space<semaphore_mem>>)
          %dma_wait3A_271 = arith.constant 0 : i32
          %dma_wait3A_272 = arith.constant 0 : i32
          %dma_wait3A_273 = tpu.memref_slice %arg15[%dma_wait3A_271, %dma_wait3A_272] : memref<2x128xi32, #tpu.memory_space<vmem>> -> memref<1x128xi32, #tpu.memory_space<vmem>>
          %dma_wait3A_274 = tpu.memref_squeeze %dma_wait3A_273 : memref<1x128xi32, #tpu.memory_space<vmem>> -> memref<128xi32, #tpu.memory_space<vmem>>
          %dma_wait3A_275 = arith.constant 0 : i32
          %dma_wait3A_276 = arith.constant 0 : i32
          %dma_wait3A_277 = tpu.memref_slice %arg8[%dma_wait3A_275, %dma_wait3A_276] : memref<16512x128xf32, #tpu.memory_space<hbm>> -> memref<16512x128xf32, #tpu.memory_space<hbm>>
          tpu.wait_indirect_dma semaphore(%arg18 : memref<!tpu.dma_semaphore, #tpu.memory_space<semaphore_mem>>) src(%arg14 : memref<128x128xf32, #tpu.memory_space<vmem>>) dst(%dma_wait3A_277 : memref<16512x128xf32, #tpu.memory_space<hbm>>)
        } else {
        }
        %eq3A_262 = arith.constant 128 : i32
        %eq3A_263 = arith.cmpi eq, %add3A_257, %eq3A_262 : i32
        %jit3A = arith.constant 0 : i32
        %select_n3A = arith.select %eq3A_263, %jit3A, %add3A_257 : i32
        scf.yield %select_n3A : i32
      }
      scf.yield %while3A_195 : i32
    }
    %scan3A_34 = arith.constant 124 : i32
    %scan3A_35 = arith.constant 0 : i32
    %scan3A_36 = arith.constant 0 : i32
    %scan3A_37 = arith.constant 8 : i32
    %scan3A_38 = arith.addi %scan3A_36, %scan3A_37 : i32
    %scan3A_39 = arith.constant 1 : i32
    scf.for %scan3A_116 = %scan3A_36 to %scan3A_38 step %scan3A_39  : i32 {
      %mul3A_117 = arith.constant 16 : i32
      %mul3A_118 = arith.muli %scan3A_116, %mul3A_117 : i32
      %add3A_119 = vector.broadcast %mul3A_118 : i32 to vector<16xi32>
      %add3A_120 = arith.addi %add3A_119, %iota3A : vector<16xi32>
      %mul3A_121 = arith.constant 16 : i32
      %mul3A_122 = arith.muli %scan3A_116, %mul3A_121 : i32
      %get3A = arith.constant 0 : i32
      %get3A_123 = arith.index_cast %get3A : i32 to index
      %get3A_124 = arith.index_cast %mul3A_122 : i32 to index
      %get3A_125 = tpu.vector_load %arg15[%get3A_123, %get3A_124] {strides = array<i32>} : memref<2x128xi32, #tpu.memory_space<vmem>>, vector<16xi32>,
      %ge3A = vector.broadcast %scan3A_33 : i32 to vector<16xi32>
      %ge3A_126 = arith.cmpi sge, %add3A_120, %ge3A : vector<16xi32>
      %add3A_127 = arith.constant 16384 : i32
      %add3A_128 = vector.broadcast %add3A_127 : i32 to vector<16xi32>
      %add3A_129 = arith.addi %add3A_128, %add3A_120 : vector<16xi32>
      %select_n3A = arith.select %ge3A_126, %add3A_129, %get3A_125 : vector<16xi1>, vector<16xi32>
      %mul3A_130 = arith.constant 16 : i32
      %mul3A_131 = arith.muli %scan3A_116, %mul3A_130 : i32
      %swap3A = arith.constant 0 : i32
      %swap3A_132 = arith.index_cast %swap3A : i32 to index
      %swap3A_133 = arith.index_cast %mul3A_131 : i32 to index
      %swap3A_134 = tpu.vector_load %arg15[%swap3A_132, %swap3A_133] {strides = array<i32>} : memref<2x128xi32, #tpu.memory_space<vmem>>, vector<16xi32>,
      tpu.vector_store %arg15[%swap3A_132, %swap3A_133], %select_n3A {strides = array<i32>} : memref<2x128xi32, #tpu.memory_space<vmem>>, vector<16xi32>,
    }
    %scan3A_40 = arith.constant 8 : i32
    %dma_start3A = arith.constant 0 : i32
    %dma_start3A_41 = arith.constant 0 : i32
    %dma_start3A_42 = tpu.memref_slice %arg15[%dma_start3A, %dma_start3A_41] : memref<2x128xi32, #tpu.memory_space<vmem>> -> memref<1x128xi32, #tpu.memory_space<vmem>>
    %dma_start3A_43 = tpu.memref_squeeze %dma_start3A_42 : memref<1x128xi32, #tpu.memory_space<vmem>> -> memref<128xi32, #tpu.memory_space<vmem>>
    %dma_start3A_44 = arith.constant 0 : i32
    %dma_start3A_45 = arith.constant 0 : i32
    %dma_start3A_46 = tpu.memref_slice %arg8[%dma_start3A_44, %dma_start3A_45] : memref<16512x128xf32, #tpu.memory_space<hbm>> -> memref<16512x128xf32, #tpu.memory_space<hbm>>
    tpu.enqueue_indirect_dma source(%arg14 : memref<128x128xf32, #tpu.memory_space<vmem>>) target(%dma_start3A_46 : memref<16512x128xf32, #tpu.memory_space<hbm>>) offsets(%dma_start3A_43 : memref<128xi32, #tpu.memory_space<vmem>>) semaphore(%arg18 : memref<!tpu.dma_semaphore, #tpu.memory_space<semaphore_mem>>)
    %dma_wait3A = arith.constant 0 : i32
    %dma_wait3A_47 = arith.constant 0 : i32
    %dma_wait3A_48 = tpu.memref_slice %arg15[%dma_wait3A, %dma_wait3A_47] : memref<2x128xi32, #tpu.memory_space<vmem>> -> memref<1x128xi32, #tpu.memory_space<vmem>>
    %dma_wait3A_49 = tpu.memref_squeeze %dma_wait3A_48 : memref<1x128xi32, #tpu.memory_space<vmem>> -> memref<128xi32, #tpu.memory_space<vmem>>
    %dma_wait3A_50 = arith.constant 0 : i32
    %dma_wait3A_51 = arith.constant 0 : i32
    %dma_wait3A_52 = tpu.memref_slice %arg8[%dma_wait3A_50, %dma_wait3A_51] : memref<16512x128xf32, #tpu.memory_space<hbm>> -> memref<16512x128xf32, #tpu.memory_space<hbm>>
    tpu.wait_indirect_dma semaphore(%arg18 : memref<!tpu.dma_semaphore, #tpu.memory_space<semaphore_mem>>) src(%arg14 : memref<128x128xf32, #tpu.memory_space<vmem>>) dst(%dma_wait3A_52 : memref<16512x128xf32, #tpu.memory_space<hbm>>)
    "tpu.region"() ({
      %run_scoped3A = tpu.sem_alloc : memref<!tpu.dma_semaphore, #tpu.memory_space<semaphore_mem>>
      tpu.enqueue_dma source(%arg4 : memref<32784xi32, #tpu.memory_space<hbm>>) target(%arg10 : memref<32784xi32, #tpu.memory_space<vmem>>) target_semaphore(%run_scoped3A : memref<!tpu.dma_semaphore, #tpu.memory_space<semaphore_mem>>)
      tpu.wait_dma2 semaphore(%run_scoped3A : memref<!tpu.dma_semaphore, #tpu.memory_space<semaphore_mem>>) src(%arg4 : memref<32784xi32, #tpu.memory_space<hbm>>) dst(%arg10 : memref<32784xi32, #tpu.memory_space<vmem>>)
      tpu.yield
    }) : () -> ()
    "tpu.region"() ({
      %run_scoped3A = tpu.sem_alloc : memref<!tpu.dma_semaphore, #tpu.memory_space<semaphore_mem>>
      tpu.enqueue_dma source(%arg5 : memref<32784xi32, #tpu.memory_space<hbm>>) target(%arg11 : memref<32784xi32, #tpu.memory_space<vmem>>) target_semaphore(%run_scoped3A : memref<!tpu.dma_semaphore, #tpu.memory_space<semaphore_mem>>)
      tpu.wait_dma2 semaphore(%run_scoped3A : memref<!tpu.dma_semaphore, #tpu.memory_space<semaphore_mem>>) src(%arg5 : memref<32784xi32, #tpu.memory_space<hbm>>) dst(%arg11 : memref<32784xi32, #tpu.memory_space<vmem>>)
      tpu.yield
    }) : () -> ()
    %iota3A_53 = tpu.iota {dimensions = array<i32: 0>} : vector<16xi32>
    %mul3A_54 = arith.constant 2 : i32
    %mul3A_55 = arith.muli %arg1, %mul3A_54 : i32
    %add3A_56 = arith.addi %mul3A_55, %arg0 : i32
    %mul3A_57 = arith.constant 248 : i32
    %mul3A_58 = arith.muli %add3A_56, %mul3A_57 : i32
    %scan3A_59 = arith.constant 0 : i32
    %scan3A_60 = arith.constant 0 : i32
    %scan3A_61 = arith.constant 17 : i32
    %scan3A_62 = arith.addi %scan3A_60, %scan3A_61 : i32
    %scan3A_63 = arith.constant 1 : i32
    scf.for %scan3A_116 = %scan3A_60 to %scan3A_62 step %scan3A_63  : i32 {
      %mul3A_117 = arith.constant 16 : i32
      %mul3A_118 = arith.muli %scan3A_116, %mul3A_117 : i32
      %add3A_119 = arith.addi %mul3A_58, %mul3A_118 : i32
      %add3A_120 = vector.broadcast %add3A_119 : i32 to vector<16xi32>
      %add3A_121 = arith.addi %add3A_120, %iota3A_53 : vector<16xi32>
      %mul3A_122 = arith.constant 128 : i32
      %mul3A_123 = vector.broadcast %mul3A_122 : i32 to vector<16xi32>
      %mul3A_124 = arith.muli %add3A_121, %mul3A_123 : vector<16xi32>
      %broadcast_in_dim3A = arith.constant 0 : i32
      %broadcast_in_dim3A_125 = vector.broadcast %broadcast_in_dim3A : i32 to vector<16xi32>
      %broadcast_in_dim3A_126 = arith.constant 32784 : i32
      %broadcast_in_dim3A_127 = vector.broadcast %broadcast_in_dim3A_126 : i32 to vector<16xi32>
      %scan3A_128 = arith.constant 0 : i32
      %scan3A_129 = arith.constant 16 : i32
      %scan3A_130 = arith.addi %scan3A_128, %scan3A_129 : i32
      %scan3A_131 = arith.constant 1 : i32
      %scan3A_132:2 = scf.for %scan3A_137 = %scan3A_128 to %scan3A_130 step %scan3A_131 iter_args(%scan3A_138 = %broadcast_in_dim3A_125, %scan3A_139 = %broadcast_in_dim3A_127) -> (vector<16xi32>, vector<16xi32>)  : i32 {
        %add3A_140 = arith.addi %scan3A_138, %scan3A_139 : vector<16xi32>
        %shift_right_arithmetic3A = arith.constant 1 : i32
        %shift_right_arithmetic3A_141 = vector.broadcast %shift_right_arithmetic3A : i32 to vector<16xi32>
        %shift_right_arithmetic3A_142 = arith.shrsi %add3A_140, %shift_right_arithmetic3A_141 : vector<16xi32>
        %gather3A = tpu.vector_load_idx %arg10[%shift_right_arithmetic3A_142] : memref<32784xi32, #tpu.memory_space<vmem>>[vector<16xi32>], vector<16xi32>,
        %lt3A_143 = arith.cmpi slt, %gather3A, %mul3A_124 : vector<16xi32>
        %add3A_144 = arith.constant 1 : i32
        %add3A_145 = vector.broadcast %add3A_144 : i32 to vector<16xi32>
        %add3A_146 = arith.addi %shift_right_arithmetic3A_142, %add3A_145 : vector<16xi32>
        %select_n3A = arith.select %lt3A_143, %add3A_146, %scan3A_138 : vector<16xi1>, vector<16xi32>
        %select_n3A_147 = arith.select %lt3A_143, %scan3A_139, %shift_right_arithmetic3A_142 : vector<16xi1>, vector<16xi32>
        scf.yield %select_n3A, %select_n3A_147 : vector<16xi32>, vector<16xi32>
      }
      %scan3A_133 = arith.constant 16 : i32
      %mul3A_134 = arith.constant 16 : i32
      %mul3A_135 = arith.muli %scan3A_116, %mul3A_134 : i32
      %swap3A = arith.index_cast %mul3A_135 : i32 to index
      %swap3A_136 = tpu.vector_load %arg12[%swap3A] {strides = array<i32>} : memref<272xi32, #tpu.memory_space<vmem>>, vector<16xi32>,
      tpu.vector_store %arg12[%swap3A], %scan3A_132#0 {strides = array<i32>} : memref<272xi32, #tpu.memory_space<vmem>>, vector<16xi32>,
    }
    %scan3A_64 = arith.constant 17 : i32
    %lt3A_65 = arith.constant 0 : i32
    %lt3A_66 = arith.constant 248 : i32
    %lt3A_67 = arith.cmpi slt, %lt3A_65, %lt3A_66 : i32
    %add3A_68 = arith.constant 0 : i32
    %add3A_69 = arith.addi %mul3A_58, %add3A_68 : i32
    %lt3A_70 = arith.constant 7813 : i32
    %lt3A_71 = arith.cmpi slt, %add3A_69, %lt3A_70 : i32
    %and3A_72 = arith.andi %lt3A_67, %lt3A_71 : i1
    %convert_element_type3A_73 = arith.extui %and3A_72 : i1 to i32
    %cond3A_74 = arith.constant 0 : i32
    %cond3A_75 = arith.constant 0 : i32
    %cond3A_76 = arith.cmpi ne, %convert_element_type3A_73, %cond3A_75 : i32
    scf.if %cond3A_76 {
      %add3A_116 = arith.addi %mul3A_58, %cond3A_74 : i32
      %mul3A_117 = arith.constant 128 : i32
      %mul3A_118 = arith.muli %add3A_116, %mul3A_117 : i32
      %multiple_of3A = tpu.assume_multiple %mul3A_118, 128 : i32
      %dma_start3A_119 = arith.constant 0 : i32
      %dma_start3A_120 = arith.constant 0 : i32
      %dma_start3A_121 = arith.constant 0 : i32
      %dma_start3A_122 = tpu.memref_slice %arg13[%dma_start3A_119, %dma_start3A_120, %dma_start3A_121] : memref<2x64x128xf32, #tpu.memory_space<vmem>> -> memref<1x64x128xf32, #tpu.memory_space<vmem>>
      %dma_start3A_123 = tpu.memref_squeeze %dma_start3A_122 : memref<1x64x128xf32, #tpu.memory_space<vmem>> -> memref<64x128xf32, #tpu.memory_space<vmem>>
      %dma_start3A_124 = arith.constant 0 : i32
      %dma_start3A_125 = tpu.memref_slice %arg7[%dma_start3A_124, %multiple_of3A] : memref<64x1000000xf32, #tpu.memory_space<hbm>> -> memref<64x128xf32, #tpu.memory_space<hbm>>
      %dma_start3A_126 = arith.constant 0 : i32
      %dma_start3A_127 = arith.constant 0 : i32
      %dma_start3A_128 = tpu.memref_slice %arg13[%dma_start3A_119, %dma_start3A_126, %dma_start3A_127] : memref<2x64x128xf32, #tpu.memory_space<vmem>> -> memref<1x64x128xf32, #tpu.memory_space<vmem>>
      %dma_start3A_129 = tpu.memref_squeeze %dma_start3A_128 : memref<1x64x128xf32, #tpu.memory_space<vmem>> -> memref<64x128xf32, #tpu.memory_space<vmem>>
      %dma_start3A_130 = arith.constant 0 : i32
      %dma_start3A_131 = tpu.memref_slice %arg7[%dma_start3A_130, %multiple_of3A] : memref<64x1000000xf32, #tpu.memory_space<hbm>> -> memref<64x128xf32, #tpu.memory_space<hbm>>
      tpu.enqueue_dma source(%dma_start3A_131 : memref<64x128xf32, #tpu.memory_space<hbm>>) target(%dma_start3A_129 : memref<64x128xf32, #tpu.memory_space<vmem>>) target_semaphore(%arg16 : memref<!tpu.dma_semaphore, #tpu.memory_space<semaphore_mem>>)
    } else {
    }
    %lt3A_77 = arith.constant 1 : i32
    %lt3A_78 = arith.constant 248 : i32
    %lt3A_79 = arith.cmpi slt, %lt3A_77, %lt3A_78 : i32
    %add3A_80 = arith.constant 1 : i32
    %add3A_81 = arith.addi %mul3A_58, %add3A_80 : i32
    %lt3A_82 = arith.constant 7813 : i32
    %lt3A_83 = arith.cmpi slt, %add3A_81, %lt3A_82 : i32
    %and3A_84 = arith.andi %lt3A_79, %lt3A_83 : i1
    %convert_element_type3A_85 = arith.extui %and3A_84 : i1 to i32
    %cond3A_86 = arith.constant 1 : i32
    %cond3A_87 = arith.constant 0 : i32
    %cond3A_88 = arith.cmpi ne, %convert_element_type3A_85, %cond3A_87 : i32
    scf.if %cond3A_88 {
      %add3A_116 = arith.addi %mul3A_58, %cond3A_86 : i32
      %mul3A_117 = arith.constant 128 : i32
      %mul3A_118 = arith.muli %add3A_116, %mul3A_117 : i32
      %multiple_of3A = tpu.assume_multiple %mul3A_118, 128 : i32
      %dma_start3A_119 = arith.constant 1 : i32
      %dma_start3A_120 = arith.constant 0 : i32
      %dma_start3A_121 = arith.constant 0 : i32
      %dma_start3A_122 = tpu.memref_slice %arg13[%dma_start3A_119, %dma_start3A_120, %dma_start3A_121] : memref<2x64x128xf32, #tpu.memory_space<vmem>> -> memref<1x64x128xf32, #tpu.memory_space<vmem>>
      %dma_start3A_123 = tpu.memref_squeeze %dma_start3A_122 : memref<1x64x128xf32, #tpu.memory_space<vmem>> -> memref<64x128xf32, #tpu.memory_space<vmem>>
      %dma_start3A_124 = arith.constant 0 : i32
      %dma_start3A_125 = tpu.memref_slice %arg7[%dma_start3A_124, %multiple_of3A] : memref<64x1000000xf32, #tpu.memory_space<hbm>> -> memref<64x128xf32, #tpu.memory_space<hbm>>
      %dma_start3A_126 = arith.constant 0 : i32
      %dma_start3A_127 = arith.constant 0 : i32
      %dma_start3A_128 = tpu.memref_slice %arg13[%dma_start3A_119, %dma_start3A_126, %dma_start3A_127] : memref<2x64x128xf32, #tpu.memory_space<vmem>> -> memref<1x64x128xf32, #tpu.memory_space<vmem>>
      %dma_start3A_129 = tpu.memref_squeeze %dma_start3A_128 : memref<1x64x128xf32, #tpu.memory_space<vmem>> -> memref<64x128xf32, #tpu.memory_space<vmem>>
      %dma_start3A_130 = arith.constant 0 : i32
      %dma_start3A_131 = tpu.memref_slice %arg7[%dma_start3A_130, %multiple_of3A] : memref<64x1000000xf32, #tpu.memory_space<hbm>> -> memref<64x128xf32, #tpu.memory_space<hbm>>
      tpu.enqueue_dma source(%dma_start3A_131 : memref<64x128xf32, #tpu.memory_space<hbm>>) target(%dma_start3A_129 : memref<64x128xf32, #tpu.memory_space<vmem>>) target_semaphore(%arg17 : memref<!tpu.dma_semaphore, #tpu.memory_space<semaphore_mem>>)
    } else {
    }
    %scan3A_89 = arith.constant 0 : i32
    %scan3A_90 = arith.constant 0 : i32
    %scan3A_91 = arith.constant 124 : i32
    %scan3A_92 = arith.addi %scan3A_90, %scan3A_91 : i32
    %scan3A_93 = arith.constant 1 : i32
    %scan3A_94 = scf.for %scan3A_116 = %scan3A_90 to %scan3A_92 step %scan3A_93 iter_args(%scan3A_117 = %scan3A_89) -> (i32)  : i32 {
      %mul3A_118 = arith.constant 2 : i32
      %mul3A_119 = arith.muli %mul3A_118, %scan3A_116 : i32
      %lt3A_120 = arith.constant 248 : i32
      %lt3A_121 = arith.cmpi slt, %mul3A_119, %lt3A_120 : i32
      %add3A_122 = arith.addi %mul3A_58, %mul3A_119 : i32
      %lt3A_123 = arith.constant 7813 : i32
      %lt3A_124 = arith.cmpi slt, %add3A_122, %lt3A_123 : i32
      %and3A_125 = arith.andi %lt3A_121, %lt3A_124 : i1
      %convert_element_type3A_126 = arith.extui %and3A_125 : i1 to i32
      %cond3A_127 = arith.constant 0 : i32
      %cond3A_128 = arith.cmpi ne, %convert_element_type3A_126, %cond3A_127 : i32
      scf.if %cond3A_128 {
        %dma_wait3A_196 = arith.constant 0 : i32
        %dma_wait3A_197 = arith.constant 0 : i32
        %dma_wait3A_198 = arith.constant 0 : i32
        %dma_wait3A_199 = tpu.memref_slice %arg13[%dma_wait3A_196, %dma_wait3A_197, %dma_wait3A_198] : memref<2x64x128xf32, #tpu.memory_space<vmem>> -> memref<1x64x128xf32, #tpu.memory_space<vmem>>
        %dma_wait3A_200 = tpu.memref_squeeze %dma_wait3A_199 : memref<1x64x128xf32, #tpu.memory_space<vmem>> -> memref<64x128xf32, #tpu.memory_space<vmem>>
        %dma_wait3A_201 = arith.constant 0 : i32
        %dma_wait3A_202 = arith.constant 0 : i32
        %dma_wait3A_203 = tpu.memref_slice %arg7[%dma_wait3A_201, %dma_wait3A_202] : memref<64x1000000xf32, #tpu.memory_space<hbm>> -> memref<64x128xf32, #tpu.memory_space<hbm>>
        %dma_wait3A_204 = arith.constant 0 : i32
        %dma_wait3A_205 = arith.constant 0 : i32
        %dma_wait3A_206 = tpu.memref_slice %arg13[%dma_wait3A_196, %dma_wait3A_204, %dma_wait3A_205] : memref<2x64x128xf32, #tpu.memory_space<vmem>> -> memref<1x64x128xf32, #tpu.memory_space<vmem>>
        %dma_wait3A_207 = tpu.memref_squeeze %dma_wait3A_206 : memref<1x64x128xf32, #tpu.memory_space<vmem>> -> memref<64x128xf32, #tpu.memory_space<vmem>>
        %dma_wait3A_208 = arith.constant 0 : i32
        %dma_wait3A_209 = arith.constant 0 : i32
        %dma_wait3A_210 = tpu.memref_slice %arg7[%dma_wait3A_208, %dma_wait3A_209] : memref<64x1000000xf32, #tpu.memory_space<hbm>> -> memref<64x128xf32, #tpu.memory_space<hbm>>
        tpu.wait_dma2 semaphore(%arg16 : memref<!tpu.dma_semaphore, #tpu.memory_space<semaphore_mem>>) src(%dma_wait3A_210 : memref<64x128xf32, #tpu.memory_space<hbm>>) dst(%dma_wait3A_207 : memref<64x128xf32, #tpu.memory_space<vmem>>)
      } else {
      }
      %add3A_129 = arith.constant 2 : i32
      %add3A_130 = arith.addi %mul3A_119, %add3A_129 : i32
      %lt3A_131 = arith.constant 248 : i32
      %lt3A_132 = arith.cmpi slt, %add3A_130, %lt3A_131 : i32
      %add3A_133 = arith.addi %mul3A_58, %add3A_130 : i32
      %lt3A_134 = arith.constant 7813 : i32
      %lt3A_135 = arith.cmpi slt, %add3A_133, %lt3A_134 : i32
      %and3A_136 = arith.andi %lt3A_132, %lt3A_135 : i1
      %convert_element_type3A_137 = arith.extui %and3A_136 : i1 to i32
      %cond3A_138 = arith.constant 0 : i32
      %cond3A_139 = arith.cmpi ne, %convert_element_type3A_137, %cond3A_138 : i32
      scf.if %cond3A_139 {
        %add3A_196 = arith.addi %mul3A_58, %add3A_130 : i32
        %mul3A_197 = arith.constant 128 : i32
        %mul3A_198 = arith.muli %add3A_196, %mul3A_197 : i32
        %multiple_of3A = tpu.assume_multiple %mul3A_198, 128 : i32
        %dma_start3A_199 = arith.constant 0 : i32
        %dma_start3A_200 = arith.constant 0 : i32
        %dma_start3A_201 = arith.constant 0 : i32
        %dma_start3A_202 = tpu.memref_slice %arg13[%dma_start3A_199, %dma_start3A_200, %dma_start3A_201] : memref<2x64x128xf32, #tpu.memory_space<vmem>> -> memref<1x64x128xf32, #tpu.memory_space<vmem>>
        %dma_start3A_203 = tpu.memref_squeeze %dma_start3A_202 : memref<1x64x128xf32, #tpu.memory_space<vmem>> -> memref<64x128xf32, #tpu.memory_space<vmem>>
        %dma_start3A_204 = arith.constant 0 : i32
        %dma_start3A_205 = tpu.memref_slice %arg7[%dma_start3A_204, %multiple_of3A] : memref<64x1000000xf32, #tpu.memory_space<hbm>> -> memref<64x128xf32, #tpu.memory_space<hbm>>
        %dma_start3A_206 = arith.constant 0 : i32
        %dma_start3A_207 = arith.constant 0 : i32
        %dma_start3A_208 = tpu.memref_slice %arg13[%dma_start3A_199, %dma_start3A_206, %dma_start3A_207] : memref<2x64x128xf32, #tpu.memory_space<vmem>> -> memref<1x64x128xf32, #tpu.memory_space<vmem>>
        %dma_start3A_209 = tpu.memref_squeeze %dma_start3A_208 : memref<1x64x128xf32, #tpu.memory_space<vmem>> -> memref<64x128xf32, #tpu.memory_space<vmem>>
        %dma_start3A_210 = arith.constant 0 : i32
        %dma_start3A_211 = tpu.memref_slice %arg7[%dma_start3A_210, %multiple_of3A] : memref<64x1000000xf32, #tpu.memory_space<hbm>> -> memref<64x128xf32, #tpu.memory_space<hbm>>
        tpu.enqueue_dma source(%dma_start3A_211 : memref<64x128xf32, #tpu.memory_space<hbm>>) target(%dma_start3A_209 : memref<64x128xf32, #tpu.memory_space<vmem>>) target_semaphore(%arg16 : memref<!tpu.dma_semaphore, #tpu.memory_space<semaphore_mem>>)
      } else {
      }
      %mul3A_140 = arith.constant 2 : i32
      %mul3A_141 = arith.muli %mul3A_140, %scan3A_116 : i32
      %get3A = arith.index_cast %mul3A_141 : i32 to index
      %get3A_142 = tpu.vector_load %arg12[%get3A] {strides = array<i32>} : memref<272xi32, #tpu.memory_space<vmem>>, vector<16xi32>,
      %slice3A = vector.extract_strided_slice %get3A_142 {offsets = [0], sizes = [1], strides = [1]} : vector<16xi32> to vector<1xi32>
      %squeeze3A = vector.extract %slice3A[0] : i32 from vector<1xi32>
      %slice3A_143 = vector.extract_strided_slice %get3A_142 {offsets = [1], sizes = [1], strides = [1]} : vector<16xi32> to vector<1xi32>
      %squeeze3A_144 = vector.extract %slice3A_143[0] : i32 from vector<1xi32>
      %while3A = arith.subi %squeeze3A_144, %squeeze3A : i32
      %while3A_145 = arith.addi %squeeze3A, %while3A : i32
      %while3A_146 = arith.constant 1 : i32
      %while3A_147 = arith.divsi %while3A, %while3A_146 : i32
      %while3A_148 = arith.muli %while3A_147, %while3A_146 : i32
      %while3A_149 = arith.addi %squeeze3A, %while3A_148 : i32
      %while3A_150 = arith.constant 1 : i32
      %while3A_151 = scf.for %while3A_196 = %squeeze3A to %while3A_149 step %while3A_150 iter_args(%while3A_197 = %scan3A_117) -> (i32)  : i32 {
        %get3A_198 = arith.index_cast %while3A_196 : i32 to index
        %get3A_199 = tpu.vector_load %arg10[%get3A_198] {strides = array<i32>} : memref<32784xi32, #tpu.memory_space<vmem>>, vector<16xi32>,
        %get3A_200 = arith.index_cast %while3A_196 : i32 to index
        %get3A_201 = tpu.vector_load %arg11[%get3A_200] {strides = array<i32>} : memref<32784xi32, #tpu.memory_space<vmem>>, vector<16xi32>,
        %slice3A_202 = vector.extract_strided_slice %get3A_199 {offsets = [0], sizes = [1], strides = [1]} : vector<16xi32> to vector<1xi32>
        %squeeze3A_203 = vector.extract %slice3A_202[0] : i32 from vector<1xi32>
        %and3A_204 = arith.constant 127 : i32
        %and3A_205 = arith.andi %squeeze3A_203, %and3A_204 : i32
        %broadcast_in_dim3A = vector.broadcast %and3A_205 : i32 to vector<16xi32>
        %add3A_206 = arith.constant 0 : i32
        %add3A_207 = vector.broadcast %add3A_206 : i32 to vector<16xi32>
        %add3A_208 = arith.addi %add3A_207, %iota3A_53 : vector<16xi32>
        %gather3A = arith.constant 0 : i32
        %gather3A_209 = arith.constant 0 : i32
        %gather3A_210 = arith.constant 0 : i32
        %gather3A_211 = tpu.memref_slice %arg13[%gather3A, %gather3A_209, %gather3A_210] : memref<2x64x128xf32, #tpu.memory_space<vmem>> -> memref<1x64x128xf32, #tpu.memory_space<vmem>>
        %gather3A_212 = tpu.memref_squeeze %gather3A_211 : memref<1x64x128xf32, #tpu.memory_space<vmem>> -> memref<64x128xf32, #tpu.memory_space<vmem>>
        %gather3A_213 = tpu.vector_load_idx %gather3A_212[%add3A_208, %broadcast_in_dim3A] : memref<64x128xf32, #tpu.memory_space<vmem>>[vector<16xi32>, vector<16xi32>], vector<16xf32>,
        %swap3A = arith.index_cast %while3A_197 : i32 to index
        %swap3A_214 = arith.constant 0 : index
        %swap3A_215 = tpu.vector_load %arg14[%swap3A, %swap3A_214] {strides = array<i32>} : memref<128x128xf32, #tpu.memory_space<vmem>>, vector<16xf32>,
        tpu.vector_store %arg14[%swap3A, %swap3A_214], %gather3A_213 {strides = array<i32>} : memref<128x128xf32, #tpu.memory_space<vmem>>, vector<16xf32>,
        %add3A_216 = arith.constant 16 : i32
        %add3A_217 = vector.broadcast %add3A_216 : i32 to vector<16xi32>
        %add3A_218 = arith.addi %add3A_217, %iota3A_53 : vector<16xi32>
        %gather3A_219 = arith.constant 0 : i32
        %gather3A_220 = arith.constant 0 : i32
        %gather3A_221 = arith.constant 0 : i32
        %gather3A_222 = tpu.memref_slice %arg13[%gather3A_219, %gather3A_220, %gather3A_221] : memref<2x64x128xf32, #tpu.memory_space<vmem>> -> memref<1x64x128xf32, #tpu.memory_space<vmem>>
        %gather3A_223 = tpu.memref_squeeze %gather3A_222 : memref<1x64x128xf32, #tpu.memory_space<vmem>> -> memref<64x128xf32, #tpu.memory_space<vmem>>
        %gather3A_224 = tpu.vector_load_idx %gather3A_223[%add3A_218, %broadcast_in_dim3A] : memref<64x128xf32, #tpu.memory_space<vmem>>[vector<16xi32>, vector<16xi32>], vector<16xf32>,
        %swap3A_225 = arith.index_cast %while3A_197 : i32 to index
        %swap3A_226 = arith.constant 16 : index
        %swap3A_227 = tpu.vector_load %arg14[%swap3A_225, %swap3A_226] {strides = array<i32>} : memref<128x128xf32, #tpu.memory_space<vmem>>, vector<16xf32>,
        tpu.vector_store %arg14[%swap3A_225, %swap3A_226], %gather3A_224 {strides = array<i32>} : memref<128x128xf32, #tpu.memory_space<vmem>>, vector<16xf32>,
        %add3A_228 = arith.constant 32 : i32
        %add3A_229 = vector.broadcast %add3A_228 : i32 to vector<16xi32>
        %add3A_230 = arith.addi %add3A_229, %iota3A_53 : vector<16xi32>
        %gather3A_231 = arith.constant 0 : i32
        %gather3A_232 = arith.constant 0 : i32
        %gather3A_233 = arith.constant 0 : i32
        %gather3A_234 = tpu.memref_slice %arg13[%gather3A_231, %gather3A_232, %gather3A_233] : memref<2x64x128xf32, #tpu.memory_space<vmem>> -> memref<1x64x128xf32, #tpu.memory_space<vmem>>
        %gather3A_235 = tpu.memref_squeeze %gather3A_234 : memref<1x64x128xf32, #tpu.memory_space<vmem>> -> memref<64x128xf32, #tpu.memory_space<vmem>>
        %gather3A_236 = tpu.vector_load_idx %gather3A_235[%add3A_230, %broadcast_in_dim3A] : memref<64x128xf32, #tpu.memory_space<vmem>>[vector<16xi32>, vector<16xi32>], vector<16xf32>,
        %swap3A_237 = arith.index_cast %while3A_197 : i32 to index
        %swap3A_238 = arith.constant 32 : index
        %swap3A_239 = tpu.vector_load %arg14[%swap3A_237, %swap3A_238] {strides = array<i32>} : memref<128x128xf32, #tpu.memory_space<vmem>>, vector<16xf32>,
        tpu.vector_store %arg14[%swap3A_237, %swap3A_238], %gather3A_236 {strides = array<i32>} : memref<128x128xf32, #tpu.memory_space<vmem>>, vector<16xf32>,
        %add3A_240 = arith.constant 48 : i32
        %add3A_241 = vector.broadcast %add3A_240 : i32 to vector<16xi32>
        %add3A_242 = arith.addi %add3A_241, %iota3A_53 : vector<16xi32>
        %gather3A_243 = arith.constant 0 : i32
        %gather3A_244 = arith.constant 0 : i32
        %gather3A_245 = arith.constant 0 : i32
        %gather3A_246 = tpu.memref_slice %arg13[%gather3A_243, %gather3A_244, %gather3A_245] : memref<2x64x128xf32, #tpu.memory_space<vmem>> -> memref<1x64x128xf32, #tpu.memory_space<vmem>>
        %gather3A_247 = tpu.memref_squeeze %gather3A_246 : memref<1x64x128xf32, #tpu.memory_space<vmem>> -> memref<64x128xf32, #tpu.memory_space<vmem>>
        %gather3A_248 = tpu.vector_load_idx %gather3A_247[%add3A_242, %broadcast_in_dim3A] : memref<64x128xf32, #tpu.memory_space<vmem>>[vector<16xi32>, vector<16xi32>], vector<16xf32>,
        %swap3A_249 = arith.index_cast %while3A_197 : i32 to index
        %swap3A_250 = arith.constant 48 : index
        %swap3A_251 = tpu.vector_load %arg14[%swap3A_249, %swap3A_250] {strides = array<i32>} : memref<128x128xf32, #tpu.memory_space<vmem>>, vector<16xf32>,
        tpu.vector_store %arg14[%swap3A_249, %swap3A_250], %gather3A_248 {strides = array<i32>} : memref<128x128xf32, #tpu.memory_space<vmem>>, vector<16xf32>,
        %swap3A_252 = arith.constant 0 : i32
        %swap3A_253 = arith.index_cast %swap3A_252 : i32 to index
        %swap3A_254 = arith.index_cast %while3A_197 : i32 to index
        %swap3A_255 = tpu.vector_load %arg15[%swap3A_253, %swap3A_254] {strides = array<i32>} : memref<2x128xi32, #tpu.memory_space<vmem>>, vector<16xi32>,
        tpu.vector_store %arg15[%swap3A_253, %swap3A_254], %get3A_201 {strides = array<i32>} : memref<2x128xi32, #tpu.memory_space<vmem>>, vector<16xi32>,
        %add3A_256 = arith.constant 1 : i32
        %add3A_257 = arith.addi %while3A_197, %add3A_256 : i32
        %eq3A = arith.constant 128 : i32
        %eq3A_258 = arith.cmpi eq, %add3A_257, %eq3A : i32
        %convert_element_type3A_259 = arith.extui %eq3A_258 : i1 to i32
        %cond3A_260 = arith.constant 0 : i32
        %cond3A_261 = arith.cmpi ne, %convert_element_type3A_259, %cond3A_260 : i32
        scf.if %cond3A_261 {
          %dma_start3A_264 = arith.constant 0 : i32
          %dma_start3A_265 = arith.constant 0 : i32
          %dma_start3A_266 = tpu.memref_slice %arg15[%dma_start3A_264, %dma_start3A_265] : memref<2x128xi32, #tpu.memory_space<vmem>> -> memref<1x128xi32, #tpu.memory_space<vmem>>
          %dma_start3A_267 = tpu.memref_squeeze %dma_start3A_266 : memref<1x128xi32, #tpu.memory_space<vmem>> -> memref<128xi32, #tpu.memory_space<vmem>>
          %dma_start3A_268 = arith.constant 0 : i32
          %dma_start3A_269 = arith.constant 0 : i32
          %dma_start3A_270 = tpu.memref_slice %arg9[%dma_start3A_268, %dma_start3A_269] : memref<32896x128xf32, #tpu.memory_space<hbm>> -> memref<32896x128xf32, #tpu.memory_space<hbm>>
          tpu.enqueue_indirect_dma source(%arg14 : memref<128x128xf32, #tpu.memory_space<vmem>>) target(%dma_start3A_270 : memref<32896x128xf32, #tpu.memory_space<hbm>>) offsets(%dma_start3A_267 : memref<128xi32, #tpu.memory_space<vmem>>) semaphore(%arg18 : memref<!tpu.dma_semaphore, #tpu.memory_space<semaphore_mem>>)
          %dma_wait3A_271 = arith.constant 0 : i32
          %dma_wait3A_272 = arith.constant 0 : i32
          %dma_wait3A_273 = tpu.memref_slice %arg15[%dma_wait3A_271, %dma_wait3A_272] : memref<2x128xi32, #tpu.memory_space<vmem>> -> memref<1x128xi32, #tpu.memory_space<vmem>>
          %dma_wait3A_274 = tpu.memref_squeeze %dma_wait3A_273 : memref<1x128xi32, #tpu.memory_space<vmem>> -> memref<128xi32, #tpu.memory_space<vmem>>
          %dma_wait3A_275 = arith.constant 0 : i32
          %dma_wait3A_276 = arith.constant 0 : i32
          %dma_wait3A_277 = tpu.memref_slice %arg9[%dma_wait3A_275, %dma_wait3A_276] : memref<32896x128xf32, #tpu.memory_space<hbm>> -> memref<32896x128xf32, #tpu.memory_space<hbm>>
          tpu.wait_indirect_dma semaphore(%arg18 : memref<!tpu.dma_semaphore, #tpu.memory_space<semaphore_mem>>) src(%arg14 : memref<128x128xf32, #tpu.memory_space<vmem>>) dst(%dma_wait3A_277 : memref<32896x128xf32, #tpu.memory_space<hbm>>)
        } else {
        }
        %eq3A_262 = arith.constant 128 : i32
        %eq3A_263 = arith.cmpi eq, %add3A_257, %eq3A_262 : i32
        %jit3A = arith.constant 0 : i32
        %select_n3A = arith.select %eq3A_263, %jit3A, %add3A_257 : i32
        scf.yield %select_n3A : i32
      }
      %while3A_152 = arith.constant 1 : i32
      %while3A_153 = scf.for %while3A_196 = %while3A_149 to %while3A_145 step %while3A_152 iter_args(%while3A_197 = %while3A_151) -> (i32)  : i32 {
        %get3A_198 = arith.index_cast %while3A_196 : i32 to index
        %get3A_199 = tpu.vector_load %arg10[%get3A_198] {strides = array<i32>} : memref<32784xi32, #tpu.memory_space<vmem>>, vector<16xi32>,
        %get3A_200 = arith.index_cast %while3A_196 : i32 to index
        %get3A_201 = tpu.vector_load %arg11[%get3A_200] {strides = array<i32>} : memref<32784xi32, #tpu.memory_space<vmem>>, vector<16xi32>,
        %slice3A_202 = vector.extract_strided_slice %get3A_199 {offsets = [0], sizes = [1], strides = [1]} : vector<16xi32> to vector<1xi32>
        %squeeze3A_203 = vector.extract %slice3A_202[0] : i32 from vector<1xi32>
        %and3A_204 = arith.constant 127 : i32
        %and3A_205 = arith.andi %squeeze3A_203, %and3A_204 : i32
        %broadcast_in_dim3A = vector.broadcast %and3A_205 : i32 to vector<16xi32>
        %add3A_206 = arith.constant 0 : i32
        %add3A_207 = vector.broadcast %add3A_206 : i32 to vector<16xi32>
        %add3A_208 = arith.addi %add3A_207, %iota3A_53 : vector<16xi32>
        %gather3A = arith.constant 0 : i32
        %gather3A_209 = arith.constant 0 : i32
        %gather3A_210 = arith.constant 0 : i32
        %gather3A_211 = tpu.memref_slice %arg13[%gather3A, %gather3A_209, %gather3A_210] : memref<2x64x128xf32, #tpu.memory_space<vmem>> -> memref<1x64x128xf32, #tpu.memory_space<vmem>>
        %gather3A_212 = tpu.memref_squeeze %gather3A_211 : memref<1x64x128xf32, #tpu.memory_space<vmem>> -> memref<64x128xf32, #tpu.memory_space<vmem>>
        %gather3A_213 = tpu.vector_load_idx %gather3A_212[%add3A_208, %broadcast_in_dim3A] : memref<64x128xf32, #tpu.memory_space<vmem>>[vector<16xi32>, vector<16xi32>], vector<16xf32>,
        %swap3A = arith.index_cast %while3A_197 : i32 to index
        %swap3A_214 = arith.constant 0 : index
        %swap3A_215 = tpu.vector_load %arg14[%swap3A, %swap3A_214] {strides = array<i32>} : memref<128x128xf32, #tpu.memory_space<vmem>>, vector<16xf32>,
        tpu.vector_store %arg14[%swap3A, %swap3A_214], %gather3A_213 {strides = array<i32>} : memref<128x128xf32, #tpu.memory_space<vmem>>, vector<16xf32>,
        %add3A_216 = arith.constant 16 : i32
        %add3A_217 = vector.broadcast %add3A_216 : i32 to vector<16xi32>
        %add3A_218 = arith.addi %add3A_217, %iota3A_53 : vector<16xi32>
        %gather3A_219 = arith.constant 0 : i32
        %gather3A_220 = arith.constant 0 : i32
        %gather3A_221 = arith.constant 0 : i32
        %gather3A_222 = tpu.memref_slice %arg13[%gather3A_219, %gather3A_220, %gather3A_221] : memref<2x64x128xf32, #tpu.memory_space<vmem>> -> memref<1x64x128xf32, #tpu.memory_space<vmem>>
        %gather3A_223 = tpu.memref_squeeze %gather3A_222 : memref<1x64x128xf32, #tpu.memory_space<vmem>> -> memref<64x128xf32, #tpu.memory_space<vmem>>
        %gather3A_224 = tpu.vector_load_idx %gather3A_223[%add3A_218, %broadcast_in_dim3A] : memref<64x128xf32, #tpu.memory_space<vmem>>[vector<16xi32>, vector<16xi32>], vector<16xf32>,
        %swap3A_225 = arith.index_cast %while3A_197 : i32 to index
        %swap3A_226 = arith.constant 16 : index
        %swap3A_227 = tpu.vector_load %arg14[%swap3A_225, %swap3A_226] {strides = array<i32>} : memref<128x128xf32, #tpu.memory_space<vmem>>, vector<16xf32>,
        tpu.vector_store %arg14[%swap3A_225, %swap3A_226], %gather3A_224 {strides = array<i32>} : memref<128x128xf32, #tpu.memory_space<vmem>>, vector<16xf32>,
        %add3A_228 = arith.constant 32 : i32
        %add3A_229 = vector.broadcast %add3A_228 : i32 to vector<16xi32>
        %add3A_230 = arith.addi %add3A_229, %iota3A_53 : vector<16xi32>
        %gather3A_231 = arith.constant 0 : i32
        %gather3A_232 = arith.constant 0 : i32
        %gather3A_233 = arith.constant 0 : i32
        %gather3A_234 = tpu.memref_slice %arg13[%gather3A_231, %gather3A_232, %gather3A_233] : memref<2x64x128xf32, #tpu.memory_space<vmem>> -> memref<1x64x128xf32, #tpu.memory_space<vmem>>
        %gather3A_235 = tpu.memref_squeeze %gather3A_234 : memref<1x64x128xf32, #tpu.memory_space<vmem>> -> memref<64x128xf32, #tpu.memory_space<vmem>>
        %gather3A_236 = tpu.vector_load_idx %gather3A_235[%add3A_230, %broadcast_in_dim3A] : memref<64x128xf32, #tpu.memory_space<vmem>>[vector<16xi32>, vector<16xi32>], vector<16xf32>,
        %swap3A_237 = arith.index_cast %while3A_197 : i32 to index
        %swap3A_238 = arith.constant 32 : index
        %swap3A_239 = tpu.vector_load %arg14[%swap3A_237, %swap3A_238] {strides = array<i32>} : memref<128x128xf32, #tpu.memory_space<vmem>>, vector<16xf32>,
        tpu.vector_store %arg14[%swap3A_237, %swap3A_238], %gather3A_236 {strides = array<i32>} : memref<128x128xf32, #tpu.memory_space<vmem>>, vector<16xf32>,
        %add3A_240 = arith.constant 48 : i32
        %add3A_241 = vector.broadcast %add3A_240 : i32 to vector<16xi32>
        %add3A_242 = arith.addi %add3A_241, %iota3A_53 : vector<16xi32>
        %gather3A_243 = arith.constant 0 : i32
        %gather3A_244 = arith.constant 0 : i32
        %gather3A_245 = arith.constant 0 : i32
        %gather3A_246 = tpu.memref_slice %arg13[%gather3A_243, %gather3A_244, %gather3A_245] : memref<2x64x128xf32, #tpu.memory_space<vmem>> -> memref<1x64x128xf32, #tpu.memory_space<vmem>>
        %gather3A_247 = tpu.memref_squeeze %gather3A_246 : memref<1x64x128xf32, #tpu.memory_space<vmem>> -> memref<64x128xf32, #tpu.memory_space<vmem>>
        %gather3A_248 = tpu.vector_load_idx %gather3A_247[%add3A_242, %broadcast_in_dim3A] : memref<64x128xf32, #tpu.memory_space<vmem>>[vector<16xi32>, vector<16xi32>], vector<16xf32>,
        %swap3A_249 = arith.index_cast %while3A_197 : i32 to index
        %swap3A_250 = arith.constant 48 : index
        %swap3A_251 = tpu.vector_load %arg14[%swap3A_249, %swap3A_250] {strides = array<i32>} : memref<128x128xf32, #tpu.memory_space<vmem>>, vector<16xf32>,
        tpu.vector_store %arg14[%swap3A_249, %swap3A_250], %gather3A_248 {strides = array<i32>} : memref<128x128xf32, #tpu.memory_space<vmem>>, vector<16xf32>,
        %swap3A_252 = arith.constant 0 : i32
        %swap3A_253 = arith.index_cast %swap3A_252 : i32 to index
        %swap3A_254 = arith.index_cast %while3A_197 : i32 to index
        %swap3A_255 = tpu.vector_load %arg15[%swap3A_253, %swap3A_254] {strides = array<i32>} : memref<2x128xi32, #tpu.memory_space<vmem>>, vector<16xi32>,
        tpu.vector_store %arg15[%swap3A_253, %swap3A_254], %get3A_201 {strides = array<i32>} : memref<2x128xi32, #tpu.memory_space<vmem>>, vector<16xi32>,
        %add3A_256 = arith.constant 1 : i32
        %add3A_257 = arith.addi %while3A_197, %add3A_256 : i32
        %eq3A = arith.constant 128 : i32
        %eq3A_258 = arith.cmpi eq, %add3A_257, %eq3A : i32
        %convert_element_type3A_259 = arith.extui %eq3A_258 : i1 to i32
        %cond3A_260 = arith.constant 0 : i32
        %cond3A_261 = arith.cmpi ne, %convert_element_type3A_259, %cond3A_260 : i32
        scf.if %cond3A_261 {
          %dma_start3A_264 = arith.constant 0 : i32
          %dma_start3A_265 = arith.constant 0 : i32
          %dma_start3A_266 = tpu.memref_slice %arg15[%dma_start3A_264, %dma_start3A_265] : memref<2x128xi32, #tpu.memory_space<vmem>> -> memref<1x128xi32, #tpu.memory_space<vmem>>
          %dma_start3A_267 = tpu.memref_squeeze %dma_start3A_266 : memref<1x128xi32, #tpu.memory_space<vmem>> -> memref<128xi32, #tpu.memory_space<vmem>>
          %dma_start3A_268 = arith.constant 0 : i32
          %dma_start3A_269 = arith.constant 0 : i32
          %dma_start3A_270 = tpu.memref_slice %arg9[%dma_start3A_268, %dma_start3A_269] : memref<32896x128xf32, #tpu.memory_space<hbm>> -> memref<32896x128xf32, #tpu.memory_space<hbm>>
          tpu.enqueue_indirect_dma source(%arg14 : memref<128x128xf32, #tpu.memory_space<vmem>>) target(%dma_start3A_270 : memref<32896x128xf32, #tpu.memory_space<hbm>>) offsets(%dma_start3A_267 : memref<128xi32, #tpu.memory_space<vmem>>) semaphore(%arg18 : memref<!tpu.dma_semaphore, #tpu.memory_space<semaphore_mem>>)
          %dma_wait3A_271 = arith.constant 0 : i32
          %dma_wait3A_272 = arith.constant 0 : i32
          %dma_wait3A_273 = tpu.memref_slice %arg15[%dma_wait3A_271, %dma_wait3A_272] : memref<2x128xi32, #tpu.memory_space<vmem>> -> memref<1x128xi32, #tpu.memory_space<vmem>>
          %dma_wait3A_274 = tpu.memref_squeeze %dma_wait3A_273 : memref<1x128xi32, #tpu.memory_space<vmem>> -> memref<128xi32, #tpu.memory_space<vmem>>
          %dma_wait3A_275 = arith.constant 0 : i32
          %dma_wait3A_276 = arith.constant 0 : i32
          %dma_wait3A_277 = tpu.memref_slice %arg9[%dma_wait3A_275, %dma_wait3A_276] : memref<32896x128xf32, #tpu.memory_space<hbm>> -> memref<32896x128xf32, #tpu.memory_space<hbm>>
          tpu.wait_indirect_dma semaphore(%arg18 : memref<!tpu.dma_semaphore, #tpu.memory_space<semaphore_mem>>) src(%arg14 : memref<128x128xf32, #tpu.memory_space<vmem>>) dst(%dma_wait3A_277 : memref<32896x128xf32, #tpu.memory_space<hbm>>)
        } else {
        }
        %eq3A_262 = arith.constant 128 : i32
        %eq3A_263 = arith.cmpi eq, %add3A_257, %eq3A_262 : i32
        %jit3A = arith.constant 0 : i32
        %select_n3A = arith.select %eq3A_263, %jit3A, %add3A_257 : i32
        scf.yield %select_n3A : i32
      }
      %mul3A_154 = arith.constant 2 : i32
      %mul3A_155 = arith.muli %mul3A_154, %scan3A_116 : i32
      %add3A_156 = arith.constant 1 : i32
      %add3A_157 = arith.addi %mul3A_155, %add3A_156 : i32
      %lt3A_158 = arith.constant 248 : i32
      %lt3A_159 = arith.cmpi slt, %add3A_157, %lt3A_158 : i32
      %add3A_160 = arith.addi %mul3A_58, %add3A_157 : i32
      %lt3A_161 = arith.constant 7813 : i32
      %lt3A_162 = arith.cmpi slt, %add3A_160, %lt3A_161 : i32
      %and3A_163 = arith.andi %lt3A_159, %lt3A_162 : i1
      %convert_element_type3A_164 = arith.extui %and3A_163 : i1 to i32
      %cond3A_165 = arith.constant 0 : i32
      %cond3A_166 = arith.cmpi ne, %convert_element_type3A_164, %cond3A_165 : i32
      scf.if %cond3A_166 {
        %dma_wait3A_196 = arith.constant 1 : i32
        %dma_wait3A_197 = arith.constant 0 : i32
        %dma_wait3A_198 = arith.constant 0 : i32
        %dma_wait3A_199 = tpu.memref_slice %arg13[%dma_wait3A_196, %dma_wait3A_197, %dma_wait3A_198] : memref<2x64x128xf32, #tpu.memory_space<vmem>> -> memref<1x64x128xf32, #tpu.memory_space<vmem>>
        %dma_wait3A_200 = tpu.memref_squeeze %dma_wait3A_199 : memref<1x64x128xf32, #tpu.memory_space<vmem>> -> memref<64x128xf32, #tpu.memory_space<vmem>>
        %dma_wait3A_201 = arith.constant 0 : i32
        %dma_wait3A_202 = arith.constant 0 : i32
        %dma_wait3A_203 = tpu.memref_slice %arg7[%dma_wait3A_201, %dma_wait3A_202] : memref<64x1000000xf32, #tpu.memory_space<hbm>> -> memref<64x128xf32, #tpu.memory_space<hbm>>
        %dma_wait3A_204 = arith.constant 0 : i32
        %dma_wait3A_205 = arith.constant 0 : i32
        %dma_wait3A_206 = tpu.memref_slice %arg13[%dma_wait3A_196, %dma_wait3A_204, %dma_wait3A_205] : memref<2x64x128xf32, #tpu.memory_space<vmem>> -> memref<1x64x128xf32, #tpu.memory_space<vmem>>
        %dma_wait3A_207 = tpu.memref_squeeze %dma_wait3A_206 : memref<1x64x128xf32, #tpu.memory_space<vmem>> -> memref<64x128xf32, #tpu.memory_space<vmem>>
        %dma_wait3A_208 = arith.constant 0 : i32
        %dma_wait3A_209 = arith.constant 0 : i32
        %dma_wait3A_210 = tpu.memref_slice %arg7[%dma_wait3A_208, %dma_wait3A_209] : memref<64x1000000xf32, #tpu.memory_space<hbm>> -> memref<64x128xf32, #tpu.memory_space<hbm>>
        tpu.wait_dma2 semaphore(%arg17 : memref<!tpu.dma_semaphore, #tpu.memory_space<semaphore_mem>>) src(%dma_wait3A_210 : memref<64x128xf32, #tpu.memory_space<hbm>>) dst(%dma_wait3A_207 : memref<64x128xf32, #tpu.memory_space<vmem>>)
      } else {
      }
      %add3A_167 = arith.constant 2 : i32
      %add3A_168 = arith.addi %add3A_157, %add3A_167 : i32
      %lt3A_169 = arith.constant 248 : i32
      %lt3A_170 = arith.cmpi slt, %add3A_168, %lt3A_169 : i32
      %add3A_171 = arith.addi %mul3A_58, %add3A_168 : i32
      %lt3A_172 = arith.constant 7813 : i32
      %lt3A_173 = arith.cmpi slt, %add3A_171, %lt3A_172 : i32
      %and3A_174 = arith.andi %lt3A_170, %lt3A_173 : i1
      %convert_element_type3A_175 = arith.extui %and3A_174 : i1 to i32
      %cond3A_176 = arith.constant 0 : i32
      %cond3A_177 = arith.cmpi ne, %convert_element_type3A_175, %cond3A_176 : i32
      scf.if %cond3A_177 {
        %add3A_196 = arith.addi %mul3A_58, %add3A_168 : i32
        %mul3A_197 = arith.constant 128 : i32
        %mul3A_198 = arith.muli %add3A_196, %mul3A_197 : i32
        %multiple_of3A = tpu.assume_multiple %mul3A_198, 128 : i32
        %dma_start3A_199 = arith.constant 1 : i32
        %dma_start3A_200 = arith.constant 0 : i32
        %dma_start3A_201 = arith.constant 0 : i32
        %dma_start3A_202 = tpu.memref_slice %arg13[%dma_start3A_199, %dma_start3A_200, %dma_start3A_201] : memref<2x64x128xf32, #tpu.memory_space<vmem>> -> memref<1x64x128xf32, #tpu.memory_space<vmem>>
        %dma_start3A_203 = tpu.memref_squeeze %dma_start3A_202 : memref<1x64x128xf32, #tpu.memory_space<vmem>> -> memref<64x128xf32, #tpu.memory_space<vmem>>
        %dma_start3A_204 = arith.constant 0 : i32
        %dma_start3A_205 = tpu.memref_slice %arg7[%dma_start3A_204, %multiple_of3A] : memref<64x1000000xf32, #tpu.memory_space<hbm>> -> memref<64x128xf32, #tpu.memory_space<hbm>>
        %dma_start3A_206 = arith.constant 0 : i32
        %dma_start3A_207 = arith.constant 0 : i32
        %dma_start3A_208 = tpu.memref_slice %arg13[%dma_start3A_199, %dma_start3A_206, %dma_start3A_207] : memref<2x64x128xf32, #tpu.memory_space<vmem>> -> memref<1x64x128xf32, #tpu.memory_space<vmem>>
        %dma_start3A_209 = tpu.memref_squeeze %dma_start3A_208 : memref<1x64x128xf32, #tpu.memory_space<vmem>> -> memref<64x128xf32, #tpu.memory_space<vmem>>
        %dma_start3A_210 = arith.constant 0 : i32
        %dma_start3A_211 = tpu.memref_slice %arg7[%dma_start3A_210, %multiple_of3A] : memref<64x1000000xf32, #tpu.memory_space<hbm>> -> memref<64x128xf32, #tpu.memory_space<hbm>>
        tpu.enqueue_dma source(%dma_start3A_211 : memref<64x128xf32, #tpu.memory_space<hbm>>) target(%dma_start3A_209 : memref<64x128xf32, #tpu.memory_space<vmem>>) target_semaphore(%arg17 : memref<!tpu.dma_semaphore, #tpu.memory_space<semaphore_mem>>)
      } else {
      }
      %mul3A_178 = arith.constant 2 : i32
      %mul3A_179 = arith.muli %mul3A_178, %scan3A_116 : i32
      %get3A_180 = arith.index_cast %mul3A_179 : i32 to index
      %get3A_181 = tpu.vector_load %arg12[%get3A_180] {strides = array<i32>} : memref<272xi32, #tpu.memory_space<vmem>>, vector<16xi32>,
      %slice3A_182 = vector.extract_strided_slice %get3A_181 {offsets = [1], sizes = [1], strides = [1]} : vector<16xi32> to vector<1xi32>
      %squeeze3A_183 = vector.extract %slice3A_182[0] : i32 from vector<1xi32>
      %slice3A_184 = vector.extract_strided_slice %get3A_181 {offsets = [2], sizes = [1], strides = [1]} : vector<16xi32> to vector<1xi32>
      %squeeze3A_185 = vector.extract %slice3A_184[0] : i32 from vector<1xi32>
      %while3A_186 = arith.subi %squeeze3A_185, %squeeze3A_183 : i32
      %while3A_187 = arith.addi %squeeze3A_183, %while3A_186 : i32
      %while3A_188 = arith.constant 1 : i32
      %while3A_189 = arith.divsi %while3A_186, %while3A_188 : i32
      %while3A_190 = arith.muli %while3A_189, %while3A_188 : i32
      %while3A_191 = arith.addi %squeeze3A_183, %while3A_190 : i32
      %while3A_192 = arith.constant 1 : i32
      %while3A_193 = scf.for %while3A_196 = %squeeze3A_183 to %while3A_191 step %while3A_192 iter_args(%while3A_197 = %while3A_153) -> (i32)  : i32 {
        %get3A_198 = arith.index_cast %while3A_196 : i32 to index
        %get3A_199 = tpu.vector_load %arg10[%get3A_198] {strides = array<i32>} : memref<32784xi32, #tpu.memory_space<vmem>>, vector<16xi32>,
        %get3A_200 = arith.index_cast %while3A_196 : i32 to index
        %get3A_201 = tpu.vector_load %arg11[%get3A_200] {strides = array<i32>} : memref<32784xi32, #tpu.memory_space<vmem>>, vector<16xi32>,
        %slice3A_202 = vector.extract_strided_slice %get3A_199 {offsets = [0], sizes = [1], strides = [1]} : vector<16xi32> to vector<1xi32>
        %squeeze3A_203 = vector.extract %slice3A_202[0] : i32 from vector<1xi32>
        %and3A_204 = arith.constant 127 : i32
        %and3A_205 = arith.andi %squeeze3A_203, %and3A_204 : i32
        %broadcast_in_dim3A = vector.broadcast %and3A_205 : i32 to vector<16xi32>
        %add3A_206 = arith.constant 0 : i32
        %add3A_207 = vector.broadcast %add3A_206 : i32 to vector<16xi32>
        %add3A_208 = arith.addi %add3A_207, %iota3A_53 : vector<16xi32>
        %gather3A = arith.constant 1 : i32
        %gather3A_209 = arith.constant 0 : i32
        %gather3A_210 = arith.constant 0 : i32
        %gather3A_211 = tpu.memref_slice %arg13[%gather3A, %gather3A_209, %gather3A_210] : memref<2x64x128xf32, #tpu.memory_space<vmem>> -> memref<1x64x128xf32, #tpu.memory_space<vmem>>
        %gather3A_212 = tpu.memref_squeeze %gather3A_211 : memref<1x64x128xf32, #tpu.memory_space<vmem>> -> memref<64x128xf32, #tpu.memory_space<vmem>>
        %gather3A_213 = tpu.vector_load_idx %gather3A_212[%add3A_208, %broadcast_in_dim3A] : memref<64x128xf32, #tpu.memory_space<vmem>>[vector<16xi32>, vector<16xi32>], vector<16xf32>,
        %swap3A = arith.index_cast %while3A_197 : i32 to index
        %swap3A_214 = arith.constant 0 : index
        %swap3A_215 = tpu.vector_load %arg14[%swap3A, %swap3A_214] {strides = array<i32>} : memref<128x128xf32, #tpu.memory_space<vmem>>, vector<16xf32>,
        tpu.vector_store %arg14[%swap3A, %swap3A_214], %gather3A_213 {strides = array<i32>} : memref<128x128xf32, #tpu.memory_space<vmem>>, vector<16xf32>,
        %add3A_216 = arith.constant 16 : i32
        %add3A_217 = vector.broadcast %add3A_216 : i32 to vector<16xi32>
        %add3A_218 = arith.addi %add3A_217, %iota3A_53 : vector<16xi32>
        %gather3A_219 = arith.constant 1 : i32
        %gather3A_220 = arith.constant 0 : i32
        %gather3A_221 = arith.constant 0 : i32
        %gather3A_222 = tpu.memref_slice %arg13[%gather3A_219, %gather3A_220, %gather3A_221] : memref<2x64x128xf32, #tpu.memory_space<vmem>> -> memref<1x64x128xf32, #tpu.memory_space<vmem>>
        %gather3A_223 = tpu.memref_squeeze %gather3A_222 : memref<1x64x128xf32, #tpu.memory_space<vmem>> -> memref<64x128xf32, #tpu.memory_space<vmem>>
        %gather3A_224 = tpu.vector_load_idx %gather3A_223[%add3A_218, %broadcast_in_dim3A] : memref<64x128xf32, #tpu.memory_space<vmem>>[vector<16xi32>, vector<16xi32>], vector<16xf32>,
        %swap3A_225 = arith.index_cast %while3A_197 : i32 to index
        %swap3A_226 = arith.constant 16 : index
        %swap3A_227 = tpu.vector_load %arg14[%swap3A_225, %swap3A_226] {strides = array<i32>} : memref<128x128xf32, #tpu.memory_space<vmem>>, vector<16xf32>,
        tpu.vector_store %arg14[%swap3A_225, %swap3A_226], %gather3A_224 {strides = array<i32>} : memref<128x128xf32, #tpu.memory_space<vmem>>, vector<16xf32>,
        %add3A_228 = arith.constant 32 : i32
        %add3A_229 = vector.broadcast %add3A_228 : i32 to vector<16xi32>
        %add3A_230 = arith.addi %add3A_229, %iota3A_53 : vector<16xi32>
        %gather3A_231 = arith.constant 1 : i32
        %gather3A_232 = arith.constant 0 : i32
        %gather3A_233 = arith.constant 0 : i32
        %gather3A_234 = tpu.memref_slice %arg13[%gather3A_231, %gather3A_232, %gather3A_233] : memref<2x64x128xf32, #tpu.memory_space<vmem>> -> memref<1x64x128xf32, #tpu.memory_space<vmem>>
        %gather3A_235 = tpu.memref_squeeze %gather3A_234 : memref<1x64x128xf32, #tpu.memory_space<vmem>> -> memref<64x128xf32, #tpu.memory_space<vmem>>
        %gather3A_236 = tpu.vector_load_idx %gather3A_235[%add3A_230, %broadcast_in_dim3A] : memref<64x128xf32, #tpu.memory_space<vmem>>[vector<16xi32>, vector<16xi32>], vector<16xf32>,
        %swap3A_237 = arith.index_cast %while3A_197 : i32 to index
        %swap3A_238 = arith.constant 32 : index
        %swap3A_239 = tpu.vector_load %arg14[%swap3A_237, %swap3A_238] {strides = array<i32>} : memref<128x128xf32, #tpu.memory_space<vmem>>, vector<16xf32>,
        tpu.vector_store %arg14[%swap3A_237, %swap3A_238], %gather3A_236 {strides = array<i32>} : memref<128x128xf32, #tpu.memory_space<vmem>>, vector<16xf32>,
        %add3A_240 = arith.constant 48 : i32
        %add3A_241 = vector.broadcast %add3A_240 : i32 to vector<16xi32>
        %add3A_242 = arith.addi %add3A_241, %iota3A_53 : vector<16xi32>
        %gather3A_243 = arith.constant 1 : i32
        %gather3A_244 = arith.constant 0 : i32
        %gather3A_245 = arith.constant 0 : i32
        %gather3A_246 = tpu.memref_slice %arg13[%gather3A_243, %gather3A_244, %gather3A_245] : memref<2x64x128xf32, #tpu.memory_space<vmem>> -> memref<1x64x128xf32, #tpu.memory_space<vmem>>
        %gather3A_247 = tpu.memref_squeeze %gather3A_246 : memref<1x64x128xf32, #tpu.memory_space<vmem>> -> memref<64x128xf32, #tpu.memory_space<vmem>>
        %gather3A_248 = tpu.vector_load_idx %gather3A_247[%add3A_242, %broadcast_in_dim3A] : memref<64x128xf32, #tpu.memory_space<vmem>>[vector<16xi32>, vector<16xi32>], vector<16xf32>,
        %swap3A_249 = arith.index_cast %while3A_197 : i32 to index
        %swap3A_250 = arith.constant 48 : index
        %swap3A_251 = tpu.vector_load %arg14[%swap3A_249, %swap3A_250] {strides = array<i32>} : memref<128x128xf32, #tpu.memory_space<vmem>>, vector<16xf32>,
        tpu.vector_store %arg14[%swap3A_249, %swap3A_250], %gather3A_248 {strides = array<i32>} : memref<128x128xf32, #tpu.memory_space<vmem>>, vector<16xf32>,
        %swap3A_252 = arith.constant 0 : i32
        %swap3A_253 = arith.index_cast %swap3A_252 : i32 to index
        %swap3A_254 = arith.index_cast %while3A_197 : i32 to index
        %swap3A_255 = tpu.vector_load %arg15[%swap3A_253, %swap3A_254] {strides = array<i32>} : memref<2x128xi32, #tpu.memory_space<vmem>>, vector<16xi32>,
        tpu.vector_store %arg15[%swap3A_253, %swap3A_254], %get3A_201 {strides = array<i32>} : memref<2x128xi32, #tpu.memory_space<vmem>>, vector<16xi32>,
        %add3A_256 = arith.constant 1 : i32
        %add3A_257 = arith.addi %while3A_197, %add3A_256 : i32
        %eq3A = arith.constant 128 : i32
        %eq3A_258 = arith.cmpi eq, %add3A_257, %eq3A : i32
        %convert_element_type3A_259 = arith.extui %eq3A_258 : i1 to i32
        %cond3A_260 = arith.constant 0 : i32
        %cond3A_261 = arith.cmpi ne, %convert_element_type3A_259, %cond3A_260 : i32
        scf.if %cond3A_261 {
          %dma_start3A_264 = arith.constant 0 : i32
          %dma_start3A_265 = arith.constant 0 : i32
          %dma_start3A_266 = tpu.memref_slice %arg15[%dma_start3A_264, %dma_start3A_265] : memref<2x128xi32, #tpu.memory_space<vmem>> -> memref<1x128xi32, #tpu.memory_space<vmem>>
          %dma_start3A_267 = tpu.memref_squeeze %dma_start3A_266 : memref<1x128xi32, #tpu.memory_space<vmem>> -> memref<128xi32, #tpu.memory_space<vmem>>
          %dma_start3A_268 = arith.constant 0 : i32
          %dma_start3A_269 = arith.constant 0 : i32
          %dma_start3A_270 = tpu.memref_slice %arg9[%dma_start3A_268, %dma_start3A_269] : memref<32896x128xf32, #tpu.memory_space<hbm>> -> memref<32896x128xf32, #tpu.memory_space<hbm>>
          tpu.enqueue_indirect_dma source(%arg14 : memref<128x128xf32, #tpu.memory_space<vmem>>) target(%dma_start3A_270 : memref<32896x128xf32, #tpu.memory_space<hbm>>) offsets(%dma_start3A_267 : memref<128xi32, #tpu.memory_space<vmem>>) semaphore(%arg18 : memref<!tpu.dma_semaphore, #tpu.memory_space<semaphore_mem>>)
          %dma_wait3A_271 = arith.constant 0 : i32
          %dma_wait3A_272 = arith.constant 0 : i32
          %dma_wait3A_273 = tpu.memref_slice %arg15[%dma_wait3A_271, %dma_wait3A_272] : memref<2x128xi32, #tpu.memory_space<vmem>> -> memref<1x128xi32, #tpu.memory_space<vmem>>
          %dma_wait3A_274 = tpu.memref_squeeze %dma_wait3A_273 : memref<1x128xi32, #tpu.memory_space<vmem>> -> memref<128xi32, #tpu.memory_space<vmem>>
          %dma_wait3A_275 = arith.constant 0 : i32
          %dma_wait3A_276 = arith.constant 0 : i32
          %dma_wait3A_277 = tpu.memref_slice %arg9[%dma_wait3A_275, %dma_wait3A_276] : memref<32896x128xf32, #tpu.memory_space<hbm>> -> memref<32896x128xf32, #tpu.memory_space<hbm>>
          tpu.wait_indirect_dma semaphore(%arg18 : memref<!tpu.dma_semaphore, #tpu.memory_space<semaphore_mem>>) src(%arg14 : memref<128x128xf32, #tpu.memory_space<vmem>>) dst(%dma_wait3A_277 : memref<32896x128xf32, #tpu.memory_space<hbm>>)
        } else {
        }
        %eq3A_262 = arith.constant 128 : i32
        %eq3A_263 = arith.cmpi eq, %add3A_257, %eq3A_262 : i32
        %jit3A = arith.constant 0 : i32
        %select_n3A = arith.select %eq3A_263, %jit3A, %add3A_257 : i32
        scf.yield %select_n3A : i32
      }
      %while3A_194 = arith.constant 1 : i32
      %while3A_195 = scf.for %while3A_196 = %while3A_191 to %while3A_187 step %while3A_194 iter_args(%while3A_197 = %while3A_193) -> (i32)  : i32 {
        %get3A_198 = arith.index_cast %while3A_196 : i32 to index
        %get3A_199 = tpu.vector_load %arg10[%get3A_198] {strides = array<i32>} : memref<32784xi32, #tpu.memory_space<vmem>>, vector<16xi32>,
        %get3A_200 = arith.index_cast %while3A_196 : i32 to index
        %get3A_201 = tpu.vector_load %arg11[%get3A_200] {strides = array<i32>} : memref<32784xi32, #tpu.memory_space<vmem>>, vector<16xi32>,
        %slice3A_202 = vector.extract_strided_slice %get3A_199 {offsets = [0], sizes = [1], strides = [1]} : vector<16xi32> to vector<1xi32>
        %squeeze3A_203 = vector.extract %slice3A_202[0] : i32 from vector<1xi32>
        %and3A_204 = arith.constant 127 : i32
        %and3A_205 = arith.andi %squeeze3A_203, %and3A_204 : i32
        %broadcast_in_dim3A = vector.broadcast %and3A_205 : i32 to vector<16xi32>
        %add3A_206 = arith.constant 0 : i32
        %add3A_207 = vector.broadcast %add3A_206 : i32 to vector<16xi32>
        %add3A_208 = arith.addi %add3A_207, %iota3A_53 : vector<16xi32>
        %gather3A = arith.constant 1 : i32
        %gather3A_209 = arith.constant 0 : i32
        %gather3A_210 = arith.constant 0 : i32
        %gather3A_211 = tpu.memref_slice %arg13[%gather3A, %gather3A_209, %gather3A_210] : memref<2x64x128xf32, #tpu.memory_space<vmem>> -> memref<1x64x128xf32, #tpu.memory_space<vmem>>
        %gather3A_212 = tpu.memref_squeeze %gather3A_211 : memref<1x64x128xf32, #tpu.memory_space<vmem>> -> memref<64x128xf32, #tpu.memory_space<vmem>>
        %gather3A_213 = tpu.vector_load_idx %gather3A_212[%add3A_208, %broadcast_in_dim3A] : memref<64x128xf32, #tpu.memory_space<vmem>>[vector<16xi32>, vector<16xi32>], vector<16xf32>,
        %swap3A = arith.index_cast %while3A_197 : i32 to index
        %swap3A_214 = arith.constant 0 : index
        %swap3A_215 = tpu.vector_load %arg14[%swap3A, %swap3A_214] {strides = array<i32>} : memref<128x128xf32, #tpu.memory_space<vmem>>, vector<16xf32>,
        tpu.vector_store %arg14[%swap3A, %swap3A_214], %gather3A_213 {strides = array<i32>} : memref<128x128xf32, #tpu.memory_space<vmem>>, vector<16xf32>,
        %add3A_216 = arith.constant 16 : i32
        %add3A_217 = vector.broadcast %add3A_216 : i32 to vector<16xi32>
        %add3A_218 = arith.addi %add3A_217, %iota3A_53 : vector<16xi32>
        %gather3A_219 = arith.constant 1 : i32
        %gather3A_220 = arith.constant 0 : i32
        %gather3A_221 = arith.constant 0 : i32
        %gather3A_222 = tpu.memref_slice %arg13[%gather3A_219, %gather3A_220, %gather3A_221] : memref<2x64x128xf32, #tpu.memory_space<vmem>> -> memref<1x64x128xf32, #tpu.memory_space<vmem>>
        %gather3A_223 = tpu.memref_squeeze %gather3A_222 : memref<1x64x128xf32, #tpu.memory_space<vmem>> -> memref<64x128xf32, #tpu.memory_space<vmem>>
        %gather3A_224 = tpu.vector_load_idx %gather3A_223[%add3A_218, %broadcast_in_dim3A] : memref<64x128xf32, #tpu.memory_space<vmem>>[vector<16xi32>, vector<16xi32>], vector<16xf32>,
        %swap3A_225 = arith.index_cast %while3A_197 : i32 to index
        %swap3A_226 = arith.constant 16 : index
        %swap3A_227 = tpu.vector_load %arg14[%swap3A_225, %swap3A_226] {strides = array<i32>} : memref<128x128xf32, #tpu.memory_space<vmem>>, vector<16xf32>,
        tpu.vector_store %arg14[%swap3A_225, %swap3A_226], %gather3A_224 {strides = array<i32>} : memref<128x128xf32, #tpu.memory_space<vmem>>, vector<16xf32>,
        %add3A_228 = arith.constant 32 : i32
        %add3A_229 = vector.broadcast %add3A_228 : i32 to vector<16xi32>
        %add3A_230 = arith.addi %add3A_229, %iota3A_53 : vector<16xi32>
        %gather3A_231 = arith.constant 1 : i32
        %gather3A_232 = arith.constant 0 : i32
        %gather3A_233 = arith.constant 0 : i32
        %gather3A_234 = tpu.memref_slice %arg13[%gather3A_231, %gather3A_232, %gather3A_233] : memref<2x64x128xf32, #tpu.memory_space<vmem>> -> memref<1x64x128xf32, #tpu.memory_space<vmem>>
        %gather3A_235 = tpu.memref_squeeze %gather3A_234 : memref<1x64x128xf32, #tpu.memory_space<vmem>> -> memref<64x128xf32, #tpu.memory_space<vmem>>
        %gather3A_236 = tpu.vector_load_idx %gather3A_235[%add3A_230, %broadcast_in_dim3A] : memref<64x128xf32, #tpu.memory_space<vmem>>[vector<16xi32>, vector<16xi32>], vector<16xf32>,
        %swap3A_237 = arith.index_cast %while3A_197 : i32 to index
        %swap3A_238 = arith.constant 32 : index
        %swap3A_239 = tpu.vector_load %arg14[%swap3A_237, %swap3A_238] {strides = array<i32>} : memref<128x128xf32, #tpu.memory_space<vmem>>, vector<16xf32>,
        tpu.vector_store %arg14[%swap3A_237, %swap3A_238], %gather3A_236 {strides = array<i32>} : memref<128x128xf32, #tpu.memory_space<vmem>>, vector<16xf32>,
        %add3A_240 = arith.constant 48 : i32
        %add3A_241 = vector.broadcast %add3A_240 : i32 to vector<16xi32>
        %add3A_242 = arith.addi %add3A_241, %iota3A_53 : vector<16xi32>
        %gather3A_243 = arith.constant 1 : i32
        %gather3A_244 = arith.constant 0 : i32
        %gather3A_245 = arith.constant 0 : i32
        %gather3A_246 = tpu.memref_slice %arg13[%gather3A_243, %gather3A_244, %gather3A_245] : memref<2x64x128xf32, #tpu.memory_space<vmem>> -> memref<1x64x128xf32, #tpu.memory_space<vmem>>
        %gather3A_247 = tpu.memref_squeeze %gather3A_246 : memref<1x64x128xf32, #tpu.memory_space<vmem>> -> memref<64x128xf32, #tpu.memory_space<vmem>>
        %gather3A_248 = tpu.vector_load_idx %gather3A_247[%add3A_242, %broadcast_in_dim3A] : memref<64x128xf32, #tpu.memory_space<vmem>>[vector<16xi32>, vector<16xi32>], vector<16xf32>,
        %swap3A_249 = arith.index_cast %while3A_197 : i32 to index
        %swap3A_250 = arith.constant 48 : index
        %swap3A_251 = tpu.vector_load %arg14[%swap3A_249, %swap3A_250] {strides = array<i32>} : memref<128x128xf32, #tpu.memory_space<vmem>>, vector<16xf32>,
        tpu.vector_store %arg14[%swap3A_249, %swap3A_250], %gather3A_248 {strides = array<i32>} : memref<128x128xf32, #tpu.memory_space<vmem>>, vector<16xf32>,
        %swap3A_252 = arith.constant 0 : i32
        %swap3A_253 = arith.index_cast %swap3A_252 : i32 to index
        %swap3A_254 = arith.index_cast %while3A_197 : i32 to index
        %swap3A_255 = tpu.vector_load %arg15[%swap3A_253, %swap3A_254] {strides = array<i32>} : memref<2x128xi32, #tpu.memory_space<vmem>>, vector<16xi32>,
        tpu.vector_store %arg15[%swap3A_253, %swap3A_254], %get3A_201 {strides = array<i32>} : memref<2x128xi32, #tpu.memory_space<vmem>>, vector<16xi32>,
        %add3A_256 = arith.constant 1 : i32
        %add3A_257 = arith.addi %while3A_197, %add3A_256 : i32
        %eq3A = arith.constant 128 : i32
        %eq3A_258 = arith.cmpi eq, %add3A_257, %eq3A : i32
        %convert_element_type3A_259 = arith.extui %eq3A_258 : i1 to i32
        %cond3A_260 = arith.constant 0 : i32
        %cond3A_261 = arith.cmpi ne, %convert_element_type3A_259, %cond3A_260 : i32
        scf.if %cond3A_261 {
          %dma_start3A_264 = arith.constant 0 : i32
          %dma_start3A_265 = arith.constant 0 : i32
          %dma_start3A_266 = tpu.memref_slice %arg15[%dma_start3A_264, %dma_start3A_265] : memref<2x128xi32, #tpu.memory_space<vmem>> -> memref<1x128xi32, #tpu.memory_space<vmem>>
          %dma_start3A_267 = tpu.memref_squeeze %dma_start3A_266 : memref<1x128xi32, #tpu.memory_space<vmem>> -> memref<128xi32, #tpu.memory_space<vmem>>
          %dma_start3A_268 = arith.constant 0 : i32
          %dma_start3A_269 = arith.constant 0 : i32
          %dma_start3A_270 = tpu.memref_slice %arg9[%dma_start3A_268, %dma_start3A_269] : memref<32896x128xf32, #tpu.memory_space<hbm>> -> memref<32896x128xf32, #tpu.memory_space<hbm>>
          tpu.enqueue_indirect_dma source(%arg14 : memref<128x128xf32, #tpu.memory_space<vmem>>) target(%dma_start3A_270 : memref<32896x128xf32, #tpu.memory_space<hbm>>) offsets(%dma_start3A_267 : memref<128xi32, #tpu.memory_space<vmem>>) semaphore(%arg18 : memref<!tpu.dma_semaphore, #tpu.memory_space<semaphore_mem>>)
          %dma_wait3A_271 = arith.constant 0 : i32
          %dma_wait3A_272 = arith.constant 0 : i32
          %dma_wait3A_273 = tpu.memref_slice %arg15[%dma_wait3A_271, %dma_wait3A_272] : memref<2x128xi32, #tpu.memory_space<vmem>> -> memref<1x128xi32, #tpu.memory_space<vmem>>
          %dma_wait3A_274 = tpu.memref_squeeze %dma_wait3A_273 : memref<1x128xi32, #tpu.memory_space<vmem>> -> memref<128xi32, #tpu.memory_space<vmem>>
          %dma_wait3A_275 = arith.constant 0 : i32
          %dma_wait3A_276 = arith.constant 0 : i32
          %dma_wait3A_277 = tpu.memref_slice %arg9[%dma_wait3A_275, %dma_wait3A_276] : memref<32896x128xf32, #tpu.memory_space<hbm>> -> memref<32896x128xf32, #tpu.memory_space<hbm>>
          tpu.wait_indirect_dma semaphore(%arg18 : memref<!tpu.dma_semaphore, #tpu.memory_space<semaphore_mem>>) src(%arg14 : memref<128x128xf32, #tpu.memory_space<vmem>>) dst(%dma_wait3A_277 : memref<32896x128xf32, #tpu.memory_space<hbm>>)
        } else {
        }
        %eq3A_262 = arith.constant 128 : i32
        %eq3A_263 = arith.cmpi eq, %add3A_257, %eq3A_262 : i32
        %jit3A = arith.constant 0 : i32
        %select_n3A = arith.select %eq3A_263, %jit3A, %add3A_257 : i32
        scf.yield %select_n3A : i32
      }
      scf.yield %while3A_195 : i32
    }
    %scan3A_95 = arith.constant 124 : i32
    %scan3A_96 = arith.constant 0 : i32
    %scan3A_97 = arith.constant 0 : i32
    %scan3A_98 = arith.constant 8 : i32
    %scan3A_99 = arith.addi %scan3A_97, %scan3A_98 : i32
    %scan3A_100 = arith.constant 1 : i32
    scf.for %scan3A_116 = %scan3A_97 to %scan3A_99 step %scan3A_100  : i32 {
      %mul3A_117 = arith.constant 16 : i32
      %mul3A_118 = arith.muli %scan3A_116, %mul3A_117 : i32
      %add3A_119 = vector.broadcast %mul3A_118 : i32 to vector<16xi32>
      %add3A_120 = arith.addi %add3A_119, %iota3A_53 : vector<16xi32>
      %mul3A_121 = arith.constant 16 : i32
      %mul3A_122 = arith.muli %scan3A_116, %mul3A_121 : i32
      %get3A = arith.constant 0 : i32
      %get3A_123 = arith.index_cast %get3A : i32 to index
      %get3A_124 = arith.index_cast %mul3A_122 : i32 to index
      %get3A_125 = tpu.vector_load %arg15[%get3A_123, %get3A_124] {strides = array<i32>} : memref<2x128xi32, #tpu.memory_space<vmem>>, vector<16xi32>,
      %ge3A = vector.broadcast %scan3A_94 : i32 to vector<16xi32>
      %ge3A_126 = arith.cmpi sge, %add3A_120, %ge3A : vector<16xi32>
      %add3A_127 = arith.constant 32768 : i32
      %add3A_128 = vector.broadcast %add3A_127 : i32 to vector<16xi32>
      %add3A_129 = arith.addi %add3A_128, %add3A_120 : vector<16xi32>
      %select_n3A = arith.select %ge3A_126, %add3A_129, %get3A_125 : vector<16xi1>, vector<16xi32>
      %mul3A_130 = arith.constant 16 : i32
      %mul3A_131 = arith.muli %scan3A_116, %mul3A_130 : i32
      %swap3A = arith.constant 0 : i32
      %swap3A_132 = arith.index_cast %swap3A : i32 to index
      %swap3A_133 = arith.index_cast %mul3A_131 : i32 to index
      %swap3A_134 = tpu.vector_load %arg15[%swap3A_132, %swap3A_133] {strides = array<i32>} : memref<2x128xi32, #tpu.memory_space<vmem>>, vector<16xi32>,
      tpu.vector_store %arg15[%swap3A_132, %swap3A_133], %select_n3A {strides = array<i32>} : memref<2x128xi32, #tpu.memory_space<vmem>>, vector<16xi32>,
    }
    %scan3A_101 = arith.constant 8 : i32
    %dma_start3A_102 = arith.constant 0 : i32
    %dma_start3A_103 = arith.constant 0 : i32
    %dma_start3A_104 = tpu.memref_slice %arg15[%dma_start3A_102, %dma_start3A_103] : memref<2x128xi32, #tpu.memory_space<vmem>> -> memref<1x128xi32, #tpu.memory_space<vmem>>
    %dma_start3A_105 = tpu.memref_squeeze %dma_start3A_104 : memref<1x128xi32, #tpu.memory_space<vmem>> -> memref<128xi32, #tpu.memory_space<vmem>>
    %dma_start3A_106 = arith.constant 0 : i32
    %dma_start3A_107 = arith.constant 0 : i32
    %dma_start3A_108 = tpu.memref_slice %arg9[%dma_start3A_106, %dma_start3A_107] : memref<32896x128xf32, #tpu.memory_space<hbm>> -> memref<32896x128xf32, #tpu.memory_space<hbm>>
    tpu.enqueue_indirect_dma source(%arg14 : memref<128x128xf32, #tpu.memory_space<vmem>>) target(%dma_start3A_108 : memref<32896x128xf32, #tpu.memory_space<hbm>>) offsets(%dma_start3A_105 : memref<128xi32, #tpu.memory_space<vmem>>) semaphore(%arg18 : memref<!tpu.dma_semaphore, #tpu.memory_space<semaphore_mem>>)
    %dma_wait3A_109 = arith.constant 0 : i32
    %dma_wait3A_110 = arith.constant 0 : i32
    %dma_wait3A_111 = tpu.memref_slice %arg15[%dma_wait3A_109, %dma_wait3A_110] : memref<2x128xi32, #tpu.memory_space<vmem>> -> memref<1x128xi32, #tpu.memory_space<vmem>>
    %dma_wait3A_112 = tpu.memref_squeeze %dma_wait3A_111 : memref<1x128xi32, #tpu.memory_space<vmem>> -> memref<128xi32, #tpu.memory_space<vmem>>
    %dma_wait3A_113 = arith.constant 0 : i32
    %dma_wait3A_114 = arith.constant 0 : i32
    %dma_wait3A_115 = tpu.memref_slice %arg9[%dma_wait3A_113, %dma_wait3A_114] : memref<32896x128xf32, #tpu.memory_space<hbm>> -> memref<32896x128xf32, #tpu.memory_space<hbm>>
    tpu.wait_indirect_dma semaphore(%arg18 : memref<!tpu.dma_semaphore, #tpu.memory_space<semaphore_mem>>) src(%arg14 : memref<128x128xf32, #tpu.memory_space<vmem>>) dst(%dma_wait3A_115 : memref<32896x128xf32, #tpu.memory_space<hbm>>)
    return
  }
}

module attributes {stable_mosaic.version = 14 : i64} {
  func.func @_tc_loss_body(%arg0: i32, %arg1: memref<1024x128xf32, #tpu.memory_space<vmem>>, %arg2: memref<1024x128xf32, #tpu.memory_space<vmem>>, %arg3: memref<1024x128xf32, #tpu.memory_space<vmem>>, %arg4: memref<1x1xf32, #tpu.memory_space<smem>>) attributes {dimension_semantics = [#tpu.dimension_semantics<arbitrary>], iteration_bounds = array<i64: 16>, scalar_prefetch = 0 : i64, scratch_operands = 0 : i64, tpu.core_type = #tpu.core_type<tc>, window_params = [{transform_indices = @transform_0, window_bounds = array<i64: 1024, 128>}, {transform_indices = @transform_1, window_bounds = array<i64: 1024, 128>}, {transform_indices = @transform_2, window_bounds = array<i64: 1024, 128>}, {transform_indices = @transform_3, window_bounds = array<i64: 1, 1>}]} {
    %get3A = arith.constant 0 : index
    %get3A_0 = arith.constant 0 : index
    %get3A_1 = vector.load %arg1[%get3A, %get3A_0] : memref<1024x128xf32, #tpu.memory_space<vmem>>, vector<1024x64xf32>
    %get3A_2 = arith.constant 0 : index
    %get3A_3 = arith.constant 0 : index
    %get3A_4 = vector.load %arg2[%get3A_2, %get3A_3] : memref<1024x128xf32, #tpu.memory_space<vmem>>, vector<1024x64xf32>
    %get3A_5 = arith.constant 0 : index
    %get3A_6 = arith.constant 0 : index
    %get3A_7 = vector.load %arg3[%get3A_5, %get3A_6] : memref<1024x128xf32, #tpu.memory_space<vmem>>, vector<1024x64xf32>
    %sub3A = arith.subf %get3A_4, %get3A_7 : vector<1024x64xf32>
    %mul3A = arith.mulf %get3A_1, %sub3A : vector<1024x64xf32>
    %reduce_sum3A = arith.constant dense<0.000000e+00> : vector<1024xf32>
    %reduce_sum3A_8 = vector.multi_reduction <add>, %mul3A, %reduce_sum3A [1] : vector<1024x64xf32> to vector<1024xf32>
    %neg3A = arith.constant 0.000000e+00 : f32
    %neg3A_9 = vector.broadcast %neg3A : f32 to vector<1024xf32>
    %neg3A_10 = arith.subf %neg3A_9, %reduce_sum3A_8 : vector<1024xf32>
    %max3A = arith.constant 0.000000e+00 : f32
    %max3A_11 = vector.broadcast %max3A : f32 to vector<1024xf32>
    %max3A_12 = arith.maximumf %neg3A_10, %max3A_11 : vector<1024xf32>
    %abs3A = math.absf %neg3A_10 : vector<1024xf32>
    %neg3A_13 = arith.constant 0.000000e+00 : f32
    %neg3A_14 = vector.broadcast %neg3A_13 : f32 to vector<1024xf32>
    %neg3A_15 = arith.subf %neg3A_14, %abs3A : vector<1024xf32>
    %exp3A = math.exp %neg3A_15 : vector<1024xf32>
    %add3A = arith.constant 1.000000e+00 : f32
    %add3A_16 = vector.broadcast %add3A : f32 to vector<1024xf32>
    %add3A_17 = arith.addf %add3A_16, %exp3A : vector<1024xf32>
    %log3A = math.log %add3A_17 : vector<1024xf32>
    %add3A_18 = arith.addf %max3A_12, %log3A : vector<1024xf32>
    %reduce_sum3A_19 = vector.shape_cast %add3A_18 : vector<1024xf32> to vector<1x1024xf32>
    %reduce_sum3A_20 = arith.constant dense<0.000000e+00> : vector<1xf32>
    %reduce_sum3A_21 = vector.multi_reduction <add>, %reduce_sum3A_19, %reduce_sum3A_20 [1] : vector<1x1024xf32> to vector<1xf32>
    %reduce_sum3A_22 = vector.shape_cast %reduce_sum3A_21 : vector<1xf32> to vector<1x1xf32>
    %reduce_sum3A_23 = vector.extract %reduce_sum3A_22[0, 0] : f32 from vector<1x1xf32>
    %mul3A_24 = arith.constant 6.10351563E-5 : f32
    %mul3A_25 = arith.mulf %reduce_sum3A_23, %mul3A_24 : f32
    %eq3A = arith.constant 0 : i32
    %eq3A_26 = arith.cmpi eq, %arg0, %eq3A : i32
    %convert_element_type3A = arith.extui %eq3A_26 : i1 to i32
    %cond3A = arith.constant 0 : i32
    %cond3A_27 = arith.cmpi ne, %convert_element_type3A, %cond3A : i32
    scf.if %cond3A_27 {
      %swap3A_34 = arith.constant 0.000000e+00 : f32
      %swap3A_35 = arith.constant 0 : index
      %swap3A_36 = arith.constant 0 : index
      %swap3A_37 = memref.load %arg4[%swap3A_35, %swap3A_36] : memref<1x1xf32, #tpu.memory_space<smem>>
      memref.store %swap3A_34, %arg4[%swap3A_35, %swap3A_36] : memref<1x1xf32, #tpu.memory_space<smem>>
    } else {
    }
    %get3A_28 = arith.constant 0 : index
    %get3A_29 = arith.constant 0 : index
    %get3A_30 = memref.load %arg4[%get3A_28, %get3A_29] : memref<1x1xf32, #tpu.memory_space<smem>>
    %add3A_31 = arith.addf %get3A_30, %mul3A_25 : f32
    %swap3A = arith.constant 0 : index
    %swap3A_32 = arith.constant 0 : index
    %swap3A_33 = memref.load %arg4[%swap3A, %swap3A_32] : memref<1x1xf32, #tpu.memory_space<smem>>
    memref.store %add3A_31, %arg4[%swap3A, %swap3A_32] : memref<1x1xf32, #tpu.memory_space<smem>>
    return
  }
  func.func @transform_0(%arg0: i32) -> (i32, i32) {
    %c0_i32 = arith.constant 0 : i32
    %c0_i32_0 = arith.constant 0 : i32
    return %arg0, %c0_i32 : i32, i32
  }
  func.func @transform_1(%arg0: i32) -> (i32, i32) {
    %c0_i32 = arith.constant 0 : i32
    %c0_i32_0 = arith.constant 0 : i32
    return %arg0, %c0_i32 : i32, i32
  }
  func.func @transform_2(%arg0: i32) -> (i32, i32) {
    %add3A = arith.constant 16 : i32
    %add3A_0 = arith.addi %add3A, %arg0 : i32
    %c0_i32 = arith.constant 0 : i32
    %c0_i32_1 = arith.constant 0 : i32
    return %add3A_0, %c0_i32 : i32, i32
  }
  func.func @transform_3(%arg0: i32) -> (i32, i32) {
    %c0_i32 = arith.constant 0 : i32
    %c0_i32_0 = arith.constant 0 : i32
    %c0_i32_1 = arith.constant 0 : i32
    return %c0_i32, %c0_i32_0 : i32, i32
  }
}

</mosaic_0001>

<sc_bundles>
// kernel: bpr_sc_harvest.3.cloned.1.call-start
scs
__scs_entry_jumppad:
0x0: {  	(pc) =	sbr.rel $0x88, $3  }
0x1: {  	(tag) =	ssettag $0x0;
	lr =	simm.s32 $0x1  }
0x2: {  	[smem:$0x3F9C] =	sst lr;
	_ =	strace $0xD0000000  }
0x3: {  	_ = 	snop  }
0x4: {  	_ = 	snop  }
0x5: {  	_ = 	snop  }
0x6: {  	_ = 	snop  }
0x7: {  	_ = 	snop  }
__scs_overlays_trampoline_lowered:
0x8: {  	[smem:$0x3FAB] =	sst s0  }
0x9: {  	[smem:$0x3FAC] =	sst s1  }
0xa: {  	[smem:$0x3FAD] =	sst s2  }
0xb: {  	[smem:$0x3FAE] =	sst s3  }
0xc: {  	[smem:$0x3FAF] =	sst s4  }
0xd: {  	[smem:$0x3FB0] =	sst s5  }
0xe: {  	[smem:$0x3FB1] =	sst s6  }
0xf: {  	[smem:$0x3FB2] =	sst s7  }
0x10: {  	[smem:$0x3FB3] =	sst s8  }
0x11: {  	[smem:$0x3FB4] =	sst s9;
	s0 =	simm.s32 @!p0 $0x0  }
0x12: {  	s1 =	sld [smem:$0x3F9A];
	s0 =	simm.s32 @p0 $0x1  }
0x13: {  	[smem:$0x3FB5] =	sst s0;
	s0 =	simm.s32 @!p1 $0x0  }
0x14: {  	s2 =	sld [smem:$0x3F99];
	s0 =	simm.s32 @p1 $0x1  }
0x15: {  	[smem:$0x3FB6] =	sst s0;
	s0 =	simm.s32 @!p2 $0x0  }
0x16: {  	s3 =	sld [smem:$0x3FDB];
	s0 =	simm.s32 @p2 $0x1  }
0x17: {  	s4 =	simm.s32 $0x1BF5;
	[smem:$0x3FB8] =	sst s0  }
0x18: {  	s0 =	sld [smem:$0x3F9B];
	_ =	swait.ge [sflag:s4], $0x0  }
0x19: {  	s7 =	sld [smem:$0x3F9C]  }
0x1a: {  	s8 =	sadd.s32 $0xFFFFE003, lr  }
0x1b: {  	s9 =	sadd.s32 $0xFFFFFEF7, lr;
	s5 =	simm.s32 $0xFFFFFFFF;
	p2 =	slt.u32 s8, $0xFFFFF086  }
0x1c: {  	p1 =	slt.u32 s9, $0xF7A;
	s5 =	simm.s32 @!p2 $0x0  }
0x1d: {  	s5 =	simm.s32 @p1 $0x1;
	p0 =	seq.s32 s7, s2  }
0x1e: {  	s7 =	smul.u32 @!p0 $0xF7A, s2;
	p2 =	seq.s32 @!p0 s5, $0x0  }
0x1f: {  	s9 =	smul.u32 $0xF7A, s1;
	s8 =	simm.s32 @!p0 $0x1BF5;
	p2 =	por !p2, p0  }
0x20: {  	[sflag:s8] =	ssyncset.s32 @!p0 $0xFFFFF086;
	s6 =	sadd.s32 @!p0 s3, s7;
	s7 =	simm.s32 @!p0 $0x108  }
0x21: {  	s3 =	sadd.s32 s3, s9;
	s6 =	sadd.s32 @!p0 $0x88, s6;
	s7 =	simm.s32 @p2 $0x1082  }
0x22: {  	[simem:s7], [sflag:s8] =	dma.local @!p0 [hbm:s6], $0xF7A  }
0x23: {  	s9 =	sor.u32 $0xD0000000, s2;
	s6 =	simm.s32 $0x108;
	_ =	swait.ge @!p0 [sflag:s8], $0x0  }
0x24: {  	s3 =	sadd.s32 $0x88, s3;
	s6 =	simm.s32 @!p1 $0x1082;
	[sflag:s4] =	ssyncset.s32 $0xFFFFF086  }
0x25: {  	[simem:s6], [sflag:s4] =	dma.local [hbm:s3], $0xF7A  }
0x26: {  	[smem:$0x3F9C] =	sst s1;
	(tag) =	ssettag s2;
	_ =	strace s9  }
0x27: {  	s1 =	sld [smem:$0x3FAC]  }
0x28: {  	s2 =	sld [smem:$0x3FAD]  }
0x29: {  	s4 =	sld [smem:$0x3FAF]  }
0x2a: {  	p0 =	seq.s32 s5, $0x0;
	s5 =	sld [smem:$0x3FB0]  }
0x2b: {  	s6 =	sld [smem:$0x3FB1]  }
0x2c: {  	s7 =	sld [smem:$0x3FB2]  }
0x2d: {  	s3 =	simm.s32 $0x108;
	s8 =	sld [smem:$0x3FB3]  }
0x2e: {  	s3 =	simm.s32 @!p0 $0x1082;
	s9 =	sld [smem:$0x3FB4]  }
0x2f: {  	lr =	sadd.s32 s0, s3;
	s0 =	sld [smem:$0x3FAB]  }
0x30: {  	s3 =	sld [smem:$0x3FAE]  }
0x31: {  	[smem:$0x3FB7] =	sst s10  }
0x32: {  	s10 =	sld [smem:$0x3FB5];
	_ =	sdelay $0x3  }
0x33: {  	p0 =	seq.s32 s10, $0x1;
	s10 =	sld [smem:$0x3FB7];
	_ =	sdelay $0x3  }
0x34: {  	[smem:$0x3FB7] =	sst s10  }
0x35: {  	s10 =	sld [smem:$0x3FB6];
	_ =	sdelay $0x3  }
0x36: {  	p1 =	seq.s32 s10, $0x1;
	s10 =	sld [smem:$0x3FB7];
	_ =	sdelay $0x3  }
0x37: {  	[smem:$0x3FB7] =	sst s10  }
0x38: {  	s10 =	sld [smem:$0x3FB8]  }
0x39: {  	_ = 	snop;
	(pc) =	sbr.ind lr, $3  }
0x3a: {  	_ = 	snop  }
0x3b: {  	_ = 	snop  }
0x3c: {  	p2 =	seq.s32 s10, $0x1;
	s10 =	sld [smem:$0x3FB7]  }
0x3d: {  	_ =	shalt  }
0x3e: {  	_ =	shalt  }
0x3f: {  	_ =	shalt  }
0x40: {  	_ =	shalt  }
0x41: {  	_ =	shalt  }
0x42: {  	_ =	shalt  }
0x43: {  	_ =	shalt  }
0x44: {  	_ =	shalt  }
0x45: {  	_ =	shalt  }
0x46: {  	_ =	shalt  }
0x47: {  	_ =	shalt  }
0x48: {  	_ =	shalt  }
0x49: {  	_ =	shalt  }
0x4a: {  	_ =	shalt  }
0x4b: {  	_ =	shalt  }
0x4c: {  	_ =	shalt  }
0x4d: {  	_ =	shalt  }
0x4e: {  	_ =	shalt  }
0x4f: {  	_ =	shalt  }
0x50: {  	_ =	shalt  }
0x51: {  	_ =	shalt  }
0x52: {  	_ =	shalt  }
0x53: {  	_ =	shalt  }
0x54: {  	_ =	shalt  }
0x55: {  	_ =	shalt  }
0x56: {  	_ =	shalt  }
0x57: {  	_ =	shalt  }
0x58: {  	_ =	shalt  }
0x59: {  	_ =	shalt  }
0x5a: {  	_ =	shalt  }
0x5b: {  	_ =	shalt  }
0x5c: {  	_ =	shalt  }
0x5d: {  	_ =	shalt  }
0x5e: {  	_ =	shalt  }
0x5f: {  	_ =	shalt  }
0x60: {  	_ =	shalt  }
0x61: {  	_ =	shalt  }
0x62: {  	_ =	shalt  }
0x63: {  	_ =	shalt  }
0x64: {  	_ =	shalt  }
0x65: {  	_ =	shalt  }
0x66: {  	_ =	shalt  }
0x67: {  	_ =	shalt  }
0x68: {  	_ =	shalt  }
0x69: {  	_ =	shalt  }
0x6a: {  	_ =	shalt  }
0x6b: {  	_ =	shalt  }
0x6c: {  	_ =	shalt  }
0x6d: {  	_ =	shalt  }
0x6e: {  	_ =	shalt  }
0x6f: {  	_ =	shalt  }
0x70: {  	_ =	shalt  }
0x71: {  	_ =	shalt  }
0x72: {  	_ =	shalt  }
0x73: {  	_ =	shalt  }
0x74: {  	_ =	shalt  }
0x75: {  	_ =	shalt  }
0x76: {  	_ =	shalt  }
0x77: {  	_ =	shalt  }
0x78: {  	_ =	shalt  }
0x79: {  	_ =	shalt  }
0x7a: {  	_ =	shalt  }
0x7b: {  	_ =	shalt  }
0x7c: {  	_ =	shalt  }
0x7d: {  	_ =	shalt  }
0x7e: {  	_ =	shalt  }
0x7f: {  	_ =	shalt  }
0x80: {  	_ =	shalt  }
0x81: {  	_ =	shalt  }
0x82: {  	_ =	shalt  }
0x83: {  	_ =	shalt  }
0x84: {  	_ =	shalt  }
0x85: {  	_ =	shalt  }
0x86: {  	_ =	shalt  }
0x87: {  	_ =	shalt  }
.Lfunc_end0:
.L_simem_size_0:
called_computation_lowered:
.L_overlay_start_0:
0x88: {  	s2 =	sld [smem:$0x3FD9]  }
0x89: {  	s3 =	sld [smem:$0x3FFE];
	_ =	sdelay $0x1  }
0x8a: {  	s1 =	srdreg.scid  }
0x8b: {  	s0 =	sand.u32 $0x1, s1  }
0x8c: {  	s17 =	sshll.u32 s0, $0xA;
	s2 =	sadd.s32 s3, s2  }
0x8d: {  	s2 =	sadd.s32 s2, s17  }
0x8e: {  	[smem:$0x3FC3] =	sst s2  }
0x8f: {  	_ = 	snop  }
0x90: {  	s2 =	sld [smem:$0x3FC6]  }
0x91: {  	s18 =	sld [smem:$0x3FC5];
	(tm) =	ssettm $0x1  }
0x92: {  	s4 =	sld [smem:$0x3FFB];
	_ =	sdelay $0x3  }
0x93: {  	_ =	strace s4  }
0x94: {  	s4 =	sld [smem:$0x3FFC];
	_ =	sdelay $0x3  }
0x95: {  	_ =	strace s4  }
0x96: {  	s4 =	sld [smem:$0x3FFD];
	_ =	sdelay $0x3  }
0x97: {  	_ =	strace s4  }
0x98: {  	_ =	strace $0x8FFFFFFF  }
0x99: {  	s19 =	sld [smem:$0x3FDB];
	_ =	sdelay $0x1  }
0x9a: {  	s5 =	simm.s32 $_scs_section_size  }
0x9b: {  	s6 =	simm.s32 $_size__tile_overlayer_lowered;
	s7 =	simm.s32 $_tile_overlayer_lowered  }
0x9c: {  	s22 =	simm.s32 $0x1BFF;
	s21 =	sshll.u32 s7, $0x1;
	s4 =	sadd.s32 s5, s19  }
0x9d: {  	s8 =	simm.s32 $0x0;
	s20 =	sshll.u32 s6, $0x1;
	s6 =	sadd.s32 s21, s4  }
0x9e: {  	[timem:s8], [sflag:s22] =	dma.local [hbm:s6], s20  }
0x9f: {  	_ =	swait.ge [sflag:s22], s20  }
0xa0: {  	s5 =	ssub.s32 $0x0, s20;
	[sflag:s22] =	ssyncset.done $0x0  }
0xa1: {  	[sflag:s22] =	ssyncadd.s32 s5;
	_ =	sdelay $0x1  }
0xa2: {  	s23 =	simm.s32 $0x1B8B  }
0xa3: {  	_ =	swait.ge [sflag:s23], $0x1  }
0xa4: {  	[sflag:s23] =	ssyncset.done $0x0  }
0xa5: {  	s25 =	simm.s32 $0x1B8E;
	s24 =	sld [smem:$0x3FFE];
	[sflag:s23] =	ssyncadd.s32 $0xFFFFFFFF  }
0xa6: {  	s26 =	simm.s32 $execute0_lowered;
	[smem:$0x3FD2] =	sst s25  }
0xa7: {  	s6 =	sshll.u32 s26, $0x1;
	_ =	strace $0x80000046;
	[dreg:$0x1] =	wrdreg $0xFFFFFFFF  }
0xa8: {  	s28 =	simm.s32 $_size_execute0_lowered;
	s4 =	sadd.s32 s4, s6;
	[dreg:$0x0] =	wrdreg $0x0  }
0xa9: {  	s6 =	sshll.u32 s28, $0x1;
	[dreg:$0x2] =	wrdreg s4  }
0xaa: {  	[dreg:$0x3] =	wrdreg s6  }
0xab: {  	[dreg:$0x4] =	wrdreg $0xC0  }
0xac: {  	_ =	task [dreg:s8], $0x5FFFF  }
0xad: {  	[dreg:$0x1] =	wrdreg $0xFFFFFFFF  }
0xae: {  	[dreg:$0x0] =	wrdreg $0x60  }
0xaf: {  	[dreg:$0x2] =	wrdreg s24  }
0xb0: {  	[dreg:$0x3] =	wrdreg s2  }
0xb1: {  	[dreg:$0x4] =	wrdreg s18  }
0xb2: {  	[dreg:$0x5] =	wrdreg $0x9  }
0xb3: {  	_ =	task.clear_ibuf [dreg:s8], $0x6FFFF;
	_ =	strace $0x90000046  }
0xb4: {  	s29 =	simm.s32 $0x9;
	_ =	strace $0x80000048  }
0xb5: {  	_ =	swait.ge [sflag:s29], $0x1  }
0xb6: {  	[sflag:s29] =	ssyncadd.s32 $0xFFFFFFFF  }
0xb7: {  	_ =	strace $0x90000048  }
0xb8: {  	_ =	sfence  }
0xb9: {  	s30 =	sld [smem:$0x0];
	_ =	sdelay $0x2  }
0xba: {  	s31 =	sshll.u32 s1, $0xD;
	s1 =	sshrl.u32 s1, $0x2  }
0xbb: {  	s3 =	sand.u32 $0x4000, s31;
	s1 =	sadd.s32 s1, s30  }
0xbc: {  	s0 =	sor.u32 s3, s0;
	s1 =	sshll.u32 s1, $0x11  }
0xbd: {  	s0 =	sor.u32 s1, s0  }
0xbe: {  	s0 =	sadd.s32 $0x8F2B, s0  }
0xbf: {  	[sflag:s0] =	ssyncadd.remote.s32 $0x1  }
0xc0: {  	_ =	sfence.sel $0xFFFF  }
0xc1: {  	[dreg:$0x0] =	wrdreg $0xFFFFFFFF;
	(pc) =	sbr.abs _section_cstart, $3  }
0xc2: {  	[dreg:$0x1] =	wrdreg $0xFFFFFFFF  }
0xc3: {  	_ =	task.clear_ibuf [dreg:s8], $0x2FFFF;
	_ =	strace $0x9FFFFFFF  }
0xc4: {  	(tm) =	ssettm $0x7FFFFFFF  }
0xc5: {  	_ =	shalt  }
tec
execute0_lowered:
.L_overlay_start_1:
0x0: {  	(tag) =	ssettag $0x1  }
0x1: {  	s7 =	rddreg [dreg:$0x0]  }
0x2: {  	s2 =	rddreg [dreg:$0x1]  }
0x3: {  	s3 =	rddreg [dreg:$0x2];
	s5 =	simm.s32 $0x0  }
0x4: {  	s0 =	srdreg.scid;
	s8 =	stileid.u32;
	s29 =	simm.s32 $0x18280  }
0x5: {  	s30 =	simm.s32 $0x14280;
	s31 =	simm.s32 $0x3;
	[smem:$0x7FF] =	sst s5  }
0x6: {  	s1 =	sadd.s32 $0xA00, s7;
	s0 =	sand.u32 $0x1, s0;
	s19 =	sshll.u32 s8, $0x1  }
0x7: {  	s4 =	sadd.s32 $0x1400, s7;
	s20 =	sadd.s32 $0x2600, s7;
	s9 =	sadd.s32 $0x3800, s7  }
0x8: {  	s28 =	smul.u32 $0x1F0, s8;
	_ =	strace $0x80000047;
	[dreg:$0x4] =	wrdreg s1  }
0x9: {  	s1 =	sor.u32 s0, s19;
	s21 =	ssub.s32 $0x2, s0;
	s0 =	smul.u32 $0xF8, s0  }
0xa: {  	s10 =	sadd.s32 $0x44000, s7;
	[dreg:$0x5] =	wrdreg s4;
	s6 =	smul.u32 $0x7C00, s1  }
0xb: {  	[dreg:$0x6] =	wrdreg s20;
	s22 =	sshrl.u32 s21, $0x1;
	s11 =	smul.u32 $0xF8, s1  }
0xc: {  	s23 =	ssub.s32 s21, s22;
	s20 =	sadd.s32 s0, s28;
	s21 =	simm.s32 $0x4  }
0xd: {  	s0 =	simm.s32 $0x0;
	s24 =	sadd.s32 s2, s6;
	s25 =	sor.u32 $0x80, s6  }
0xe: {  	v2 =	vimm.s32 $0x2008;
	v9 =	vimm.s32 $0x4008;
	s14 =	sor.u32 $0x2, s11;
	s15 =	sor.u32 $0x1, s11;
	s16 =	sor.u32 $0x3, s11  }
0xf: {  	v0 =	vlaneseq.u32;
	s6 =	sadd.s32 s3, s6;
	s19 =	smax.u32 s23, $0x1;
	[dreg:$0x7] =	wrdreg s24  }
0x10: {  	v3 =	vimm.s32 $0x0;
	v1 =	vmul.u32 $0x80, v0;
	s23 =	simm.s32 $0x400;
	s26 =	sadd.s32 s2, s25;
	[dreg:$0x9] =	wrdreg s6  }
0x11: {  	v4 =	vimm.s32 $0x1004;
	v10 =	vimm.s32 $0x2004;
	v8 =	vor.u32 $0x4000, v0;
	s4 =	sadd.s32 s3, s25;
	s24 =	simm.s32 $0x7A1400;
	[dreg:$0x8] =	wrdreg s26  }
0x12: {  	v5 =	vor.u32 $0x800, v1;
	v6 =	vor.u32 $0x1000, v1;
	v7 =	vor.u32 $0x1800, v1;
	s25 =	simm.s32 $0x10280;
	[dreg:$0xa] =	wrdreg s4;
	s26 =	simm.s32 $0x12280  }
.LBB2_1:
0x13: {  	s1 =	rddreg [dreg:$0x0]  }
0x14: {  	[tilespmem:s5], [sflag:$0x4] =	stream.linear.gather [hbm4b:s1+s5], $0x4010, $0x38;
	[tilespmem:$0x18380] =	vst v63  }
0x15: {  	_ =	swait.ge [sflag:s21], $0x4010  }
0x16: {  	[sflag:s21] =	ssyncset.done $0x0  }
0x17: {  	s4 =	simm.s32 $0x8080;
	s28 =	rddreg [dreg:$0x4];
	[sflag:s21] =	ssyncadd.s32 $0xFFFFBFF0  }
0x18: {  	[tilespmem:s4], [sflag:$0x4] =	stream.linear.gather [hbm4b:s28+s5], $0x4010, $0x38;
	[tilespmem:$0x18380] =	vst v63  }
0x19: {  	_ =	swait.ge [sflag:s21], $0x4010  }
0x1a: {  	[sflag:s21] =	ssyncset.done $0x0  }
0x1b: {  	s1 =	smov.u32 s20;
	s4 =	simm.s32 $0x0;
	[sflag:s21] =	ssyncadd.s32 $0xFFFFBFF0  }
.LBB2_2:
0x1c: {  	v11 =	vld.idx.msk [tilespmem:v2+s5+$0x0], $0xffff;
	_ =	sdelay $0x1  }
0x1d: {  	v12 =	vmov s1  }
0x1e: {  	v12 =	vshll.u32 v12, $0x7  }
0x1f: {  	v12 =	vadd.s32 v1, v12  }
0x20: {  	vm0 =	vlt.s32 v11, v12  }
0x21: {  	v11 =	vsel vm0, $0x300C, v4;
	_ =	sdelay $0x4  }
0x22: {  	v13 =	vld.idx.msk [tilespmem:v11+s5+$0x0], $0xffff;
	_ =	sdelay $0x4  }
0x23: {  	v14 =	vsel vm0, $0x4010, v2;
	vm1 =	vlt.s32 v13, v12  }
0x24: {  	v40 =	vsel vm0, $0x2009, v3;
	v15 =	vor.u32 $0x1, v11;
	v11 =	vsel vm1, v14, v11  }
0x25: {  	v13 =	vsel vm1, v15, v40;
	v14 =	vadd.s32 $0xFFFFFFFF, v11  }
0x26: {  	v15 =	vxor.u32 v14, v13  }
0x27: {  	v14 =	vor.u32 v14, v13;
	v15 =	vshrl.u32 v15, $0x1  }
0x28: {  	v14 =	vsub.s32 v14, v15;
	_ =	sdelay $0x4  }
0x29: {  	v15 =	vld.idx.msk [tilespmem:v14+s5+$0x0], $0xffff;
	_ =	sdelay $0x4  }
0x2a: {  	v41 =	vor.u32 $0x1, v14;
	vm15 =	vlt.s32 v15, v12  }
0x2b: {  	v13 =	vsel vm15, v41, v13;
	v11 =	vsel vm15, v11, v14  }
0x2c: {  	v14 =	vxor.u32 v13, v11  }
0x2d: {  	v15 =	vand.u32 v13, v11;
	v14 =	vshrl.u32 v14, $0x1  }
0x2e: {  	v14 =	vadd.s32 v14, v15;
	_ =	sdelay $0x4  }
0x2f: {  	v15 =	vld.idx.msk [tilespmem:v14+s5+$0x0], $0xffff;
	_ =	sdelay $0x4  }
0x30: {  	v42 =	vadd.s32 $0x1, v14;
	vm4 =	vlt.s32 v15, v12  }
0x31: {  	v13 =	vsel vm4, v42, v13;
	v11 =	vsel vm4, v11, v14  }
0x32: {  	v14 =	vadd.s32 v13, v11  }
0x33: {  	v14 =	vshrl.u32 v14, $0x1;
	_ =	sdelay $0x4  }
0x34: {  	v43 =	vld.idx.msk [tilespmem:v14+s5+$0x0], $0xffff;
	_ =	sdelay $0x4  }
0x35: {  	v44 =	vadd.s32 $0x1, v14;
	vm5 =	vlt.s32 v43, v12  }
0x36: {  	v13 =	vsel vm5, v44, v13;
	v11 =	vsel vm5, v11, v14  }
0x37: {  	v14 =	vadd.s32 v13, v11  }
0x38: {  	v14 =	vshrl.u32 v14, $0x1;
	_ =	sdelay $0x4  }
0x39: {  	v45 =	vld.idx.msk [tilespmem:v14+s5+$0x0], $0xffff;
	_ =	sdelay $0x4  }
0x3a: {  	v46 =	vadd.s32 $0x1, v14;
	vm6 =	vlt.s32 v45, v12  }
0x3b: {  	v13 =	vsel vm6, v46, v13;
	v11 =	vsel vm6, v11, v14  }
0x3c: {  	v14 =	vadd.s32 v13, v11  }
0x3d: {  	v14 =	vshrl.u32 v14, $0x1;
	_ =	sdelay $0x4  }
0x3e: {  	v47 =	vld.idx.msk [tilespmem:v14+s5+$0x0], $0xffff;
	_ =	sdelay $0x4  }
0x3f: {  	v48 =	vadd.s32 $0x1, v14;
	vm7 =	vlt.s32 v47, v12  }
0x40: {  	v13 =	vsel vm7, v48, v13;
	v11 =	vsel vm7, v11, v14  }
0x41: {  	v14 =	vadd.s32 v13, v11  }
0x42: {  	v14 =	vshrl.u32 v14, $0x1;
	_ =	sdelay $0x4  }
0x43: {  	v49 =	vld.idx.msk [tilespmem:v14+s5+$0x0], $0xffff;
	_ =	sdelay $0x4  }
0x44: {  	v50 =	vadd.s32 $0x1, v14;
	vm8 =	vlt.s32 v49, v12  }
0x45: {  	v13 =	vsel vm8, v50, v13;
	v11 =	vsel vm8, v11, v14  }
0x46: {  	v14 =	vadd.s32 v13, v11  }
0x47: {  	v14 =	vshrl.u32 v14, $0x1;
	_ =	sdelay $0x4  }
0x48: {  	v51 =	vld.idx.msk [tilespmem:v14+s5+$0x0], $0xffff;
	_ =	sdelay $0x4  }
0x49: {  	v52 =	vadd.s32 $0x1, v14;
	vm9 =	vlt.s32 v51, v12  }
0x4a: {  	v13 =	vsel vm9, v52, v13;
	v11 =	vsel vm9, v11, v14  }
0x4b: {  	v14 =	vadd.s32 v13, v11  }
0x4c: {  	v14 =	vshrl.u32 v14, $0x1;
	_ =	sdelay $0x4  }
0x4d: {  	v53 =	vld.idx.msk [tilespmem:v14+s5+$0x0], $0xffff;
	_ =	sdelay $0x4  }
0x4e: {  	v54 =	vadd.s32 $0x1, v14;
	vm10 =	vlt.s32 v53, v12  }
0x4f: {  	v13 =	vsel vm10, v54, v13;
	v11 =	vsel vm10, v11, v14  }
0x50: {  	v14 =	vadd.s32 v13, v11  }
0x51: {  	v14 =	vshrl.u32 v14, $0x1;
	_ =	sdelay $0x4  }
0x52: {  	v55 =	vld.idx.msk [tilespmem:v14+s5+$0x0], $0xffff;
	_ =	sdelay $0x4  }
0x53: {  	v56 =	vadd.s32 $0x1, v14;
	vm11 =	vlt.s32 v55, v12  }
0x54: {  	v13 =	vsel vm11, v56, v13;
	v11 =	vsel vm11, v11, v14  }
0x55: {  	v14 =	vadd.s32 v13, v11  }
0x56: {  	v14 =	vshrl.u32 v14, $0x1;
	_ =	sdelay $0x4  }
0x57: {  	v57 =	vld.idx.msk [tilespmem:v14+s5+$0x0], $0xffff;
	_ =	sdelay $0x4  }
0x58: {  	v58 =	vadd.s32 $0x1, v14;
	vm12 =	vlt.s32 v57, v12  }
0x59: {  	v13 =	vsel vm12, v58, v13;
	v11 =	vsel vm12, v11, v14  }
0x5a: {  	v14 =	vadd.s32 v13, v11  }
0x5b: {  	v14 =	vshrl.u32 v14, $0x1;
	_ =	sdelay $0x4  }
0x5c: {  	v59 =	vld.idx.msk [tilespmem:v14+s5+$0x0], $0xffff;
	_ =	sdelay $0x4  }
0x5d: {  	v60 =	vadd.s32 $0x1, v14;
	vm13 =	vlt.s32 v59, v12  }
0x5e: {  	v13 =	vsel vm13, v60, v13;
	v11 =	vsel vm13, v11, v14  }
0x5f: {  	v14 =	vadd.s32 v13, v11  }
0x60: {  	v14 =	vshrl.u32 v14, $0x1;
	_ =	sdelay $0x4  }
0x61: {  	v61 =	vld.idx.msk [tilespmem:v14+s5+$0x0], $0xffff;
	_ =	sdelay $0x4  }
0x62: {  	v62 =	vadd.s32 $0x1, v14;
	vm14 =	vlt.s32 v61, v12  }
0x63: {  	v13 =	vsel vm14, v62, v13;
	v11 =	vsel vm14, v11, v14  }
0x64: {  	v11 =	vadd.s32 v13, v11  }
0x65: {  	v11 =	vshrl.u32 v11, $0x1;
	_ =	sdelay $0x4  }
0x66: {  	v63 =	vld.idx.msk [tilespmem:v11+s5+$0x0], $0xffff;
	_ =	sdelay $0x1  }
0x67: {  	p0 =	sne.s32 s4, $0x400  }
.Ltmp0:
0x68: {  	_ = 	snop;
	(pc) =	sbr.rel @p0 .LBB2_2-.Ltmp0, $4  }
0x69: {  	_ = 	snop  }
0x6a: {  	v11 =	vadd.s32 $0x1, v11;
	vm15 =	vlt.s32 v63, v12  }
0x6b: {  	s6 =	sshra.s32 s4, $0x2;
	v11 =	vsel vm15, v11, v13  }
0x6c: {  	s1 =	sadd.s32 $0x10, s1;
	s4 =	sadd.s32 $0x40, s4;
	[tilespmem:s6+$0x10100] =	vst v11  }
.Ltmp1:
0x6d: {  	(pc) =	sbr.rel .LBB2_4-.Ltmp1, $4  }
0x6e: {  	s1 =	rddreg [dreg:$0x7]  }
0x6f: {  	[tilespmem:s25], [sflag:$0x1] =	stream.strided.gather [hbm4b:s1+s23], $0x2000, s24, s23, $0x38;
	[tilespmem:$0x18380] =	vst v63  }
0x70: {  	s28 =	rddreg [dreg:$0x8];
	s6 =	simm.s32 $0x0;
	s4 =	simm.s32 $0x0  }
0x71: {  	[tilespmem:s26], [sflag:$0x2] =	stream.strided.gather [hbm4b:s28+s23], $0x2000, s24, s23, $0x38;
	[tilespmem:$0x18380] =	vst v63  }
.LBB2_11:
0x72: {  	[sflag:s13] =	ssyncset.done @!p1 $0x0  }
0x73: {  	[sflag:s13] =	ssyncadd.s32 @!p1 $0xFFFFC000  }
.LBB2_12:
0x74: {  	s4 =	sadd.s32 $0x1, s4  }
0x75: {  	p0 =	seq.s32 s4, $0x7C  }
.Ltmp2:
0x76: {  	_ = 	snop;
	(pc) =	sbr.rel @p0 .LBB2_13-.Ltmp2, $1  }
0x77: {  	_ =	sdelay $0x3  }
.LBB2_4:
0x78: {  	s1 =	sshll.u32 s4, $0x1  }
0x79: {  	s7 =	sadd.s32 s11, s1  }
0x7a: {  	p1 =	sgt.u32 s7, $0x1E84  }
0x7b: {  	p0 =	seq.s32 s4, $0x7B;
	s7 =	sadd.s32 s1, s14;
	s8 =	simm.s32 @!p1 $0x1  }
0x7c: {  	p2 =	sgt.u32 @!p0 s7, $0x1E84;
	_ =	swait.ge @!p1 [sflag:s8], $0x2000  }
0x7d: {  	p2 =	por p2, p0;
	[sflag:s8] =	ssyncset.done @!p1 $0x0  }
0x7e: {  	s7 =	sshll.u32 @!p2 s7, $0x7;
	s12 =	simm.s32 @!p2 $0x7A1400;
	s13 =	simm.s32 @!p2 $0x10280  }
0x7f: {  	[sflag:s8] =	ssyncadd.s32 @!p1 $0xFFFFE000;
	s7 =	sadd.s32 @!p2 s2, s7;
	s8 =	simm.s32 @!p2 $0x400  }
0x80: {  	[tilespmem:s13], [sflag:$0x1] =	stream.strided.gather @!p2 [hbm4b:s7+s8], $0x2000, s12, s8, $0x38;
	[tilespmem:$0x18380] =	vst v63  }
0x81: {  	v11 =	vld [tilespmem:s1+$0x10100];
	_ =	sdelay $0x4  }
0x82: {  	(v2sf) =	vpush v11, $0x0  }
0x83: {  	(v2sf) =	vpush v11, $0x1;
	_ =	sdelay $0xd  }
0x84: {  	s8 =	spop (v2sf)  }
0x85: {  	s12 =	spop (v2sf)  }
0x86: {  	p1 =	sle.s32 s12, s8  }
.Ltmp3:
0x87: {  	_ = 	snop;
	(pc) =	sbr.rel @p1 .LBB2_8-.Ltmp3, $1  }
0x88: {  	_ =	sdelay $0x3  }
0x89: {  	s7 =	sshll.u32 s8, $0x2  }
0x8a: {  	s17 =	sshra.s32 s7, $0x2  }
0x8b: {  	v11 =	vld [tilespmem:s17+$0x0];
	_ =	sdelay $0x4  }
0x8c: {  	(v2sf) =	vpush v11, $0x0;
	_ =	sdelay $0xe  }
0x8d: {  	s22 =	spop (v2sf)  }
0x8e: {  	s13 =	sand.u32 $0x7F, s22  }
0x8f: {  	v11 =	vor.u32 s13, v1;
	_ =	sdelay $0x4  }
0x90: {  	v11 =	vld.idx.msk [tilespmem:v11+s25+$0x0], $0xffff  }
0x91: {  	v12 =	vor.u32 s13, v5;
	_ =	sdelay $0x1  }
0x92: {  	s22 =	sshll.u32 s6, $0x9  }
0x93: {  	s7 =	sadd.s32 $0x8080, s17;
	s18 =	sshra.s32 s22, $0x2  }
0x94: {  	v13 =	vld [tilespmem:s7+$0x0];
	[tilespmem:s18+$0x14280] =	vst v11  }
0x95: {  	v11 =	vld.idx.msk [tilespmem:v12+s25+$0x0], $0xffff  }
0x96: {  	v62 =	vor.u32 s13, v6;
	_ =	sdelay $0x3  }
0x97: {  	[tilespmem:s18+$0x14290] =	vst v11  }
0x98: {  	v11 =	vld.idx.msk [tilespmem:v62+s25+$0x0], $0xffff  }
0x99: {  	v63 =	vor.u32 s13, v7;
	_ =	sdelay $0x3  }
0x9a: {  	[tilespmem:s18+$0x142A0] =	vst v11  }
0x9b: {  	v11 =	vld.idx.msk [tilespmem:v63+s25+$0x0], $0xffff;
	_ =	sdelay $0x1  }
0x9c: {  	s28 =	ssub.s32 s12, s8  }
0x9d: {  	s8 =	sadd.s32 $0xFFFFFFFF, s28  }
0x9e: {  	p1 =	sne.s32 s8, $0x0;
	s22 =	sadd.s32 $0x1, s6  }
.Ltmp4:
0x9f: {  	p2 =	sne.s32 s22, $0x80;
	[tilespmem:s18+$0x142B0] =	vst v11;
	(pc) =	sbr.rel @!p1 .LBB2_7-.Ltmp4, $4  }
0xa0: {  	s12 =	simm.s32 @!p2 $0x80;
	s13 =	simm.s32 @!p2 $0x18280;
	s18 =	simm.s32 @!p2 $0x14280;
	[tilespmem:s6+$0x18280] =	vst v13  }
0xa1: {  	[hbm4b:s9+s12] =	stream.indirect.scatter @!p2 [tilespmem:s18], [sflag:$0x3], $0x80, s13, s12, $0xb8;
	[tilespmem:$0x18380] =	vst v63  }
0xa2: {  	s22 =	simm.s32 @!p2 $0x0;
	s13 =	simm.s32 @!p2 $0x3  }
0xa3: {  	s6 =	smov.u32 s22;
	s12 =	sadd.s32 $0x1, s17;
	_ =	swait.ge @!p2 [sflag:s13], $0x4000  }
.LBB2_6:
0xa4: {  	s8 =	sadd.s32 $0xFFFFFFFF, s8;
	[sflag:s13] =	ssyncset.done @!p2 $0x0;
	s7 =	sadd.s32 $0x1, s7  }
0xa5: {  	p1 =	sne.s32 s8, $0x0;
	[sflag:s13] =	ssyncadd.s32 @!p2 $0xFFFFC000  }
0xa6: {  	v11 =	vld [tilespmem:s12+$0x0];
	_ =	sdelay $0x4  }
0xa7: {  	(v2sf) =	vpush v11, $0x0;
	_ =	sdelay $0xe  }
0xa8: {  	s6 =	spop (v2sf)  }
0xa9: {  	s6 =	sand.u32 $0x7F, s6  }
0xaa: {  	v11 =	vor.u32 s6, v1;
	_ =	sdelay $0x4  }
0xab: {  	v11 =	vld.idx.msk [tilespmem:v11+s25+$0x0], $0xffff  }
0xac: {  	v12 =	vor.u32 s6, v5;
	_ =	sdelay $0x1  }
0xad: {  	s13 =	sshll.u32 s22, $0x9  }
0xae: {  	s13 =	sshra.s32 s13, $0x2;
	v13 =	vld [tilespmem:s7+$0x0];
	_ =	sdelay $0x1  }
0xaf: {  	[tilespmem:s13+$0x14280] =	vst v11  }
0xb0: {  	v11 =	vld.idx.msk [tilespmem:v12+s25+$0x0], $0xffff  }
0xb1: {  	v12 =	vor.u32 s6, v6;
	_ =	sdelay $0x4  }
0xb2: {  	[tilespmem:s13+$0x14290] =	vst v11  }
0xb3: {  	v11 =	vld.idx.msk [tilespmem:v12+s25+$0x0], $0xffff  }
0xb4: {  	v12 =	vor.u32 s6, v7;
	_ =	sdelay $0x4  }
0xb5: {  	[tilespmem:s13+$0x142A0] =	vst v11  }
0xb6: {  	v11 =	vld.idx.msk [tilespmem:v12+s25+$0x0], $0xffff;
	_ =	sdelay $0x3  }
0xb7: {  	s6 =	sadd.s32 $0x1, s22  }
.Ltmp5:
0xb8: {  	p2 =	sne.s32 s6, $0x80;
	(pc) =	sbr.rel @p1 .LBB2_6-.Ltmp5, $4  }
0xb9: {  	s17 =	simm.s32 @!p2 $0x80;
	s18 =	simm.s32 @!p2 $0x18280;
	s28 =	simm.s32 @!p2 $0x14280;
	[tilespmem:s13+$0x142B0] =	vst v11  }
0xba: {  	s6 =	simm.s32 @!p2 $0x0;
	s13 =	simm.s32 @!p2 $0x3;
	[tilespmem:s22+$0x18280] =	vst v13  }
0xbb: {  	[hbm4b:s9+s17] =	stream.indirect.scatter @!p2 [tilespmem:s28], [sflag:$0x3], $0x80, s18, s17, $0xb8;
	[tilespmem:$0x18380] =	vst v63  }
0xbc: {  	s12 =	sadd.s32 $0x1, s12;
	s22 =	smov.u32 s6;
	_ =	swait.ge @!p2 [sflag:s13], $0x4000  }
.LBB2_7:
0xbd: {  	[sflag:s13] =	ssyncset.done @!p2 $0x0  }
0xbe: {  	[sflag:s13] =	ssyncadd.s32 @!p2 $0xFFFFC000  }
.LBB2_8:
0xbf: {  	s7 =	sadd.s32 s1, s15  }
0xc0: {  	p1 =	sgt.u32 s7, $0x1E84  }
0xc1: {  	s7 =	sadd.s32 s1, s16;
	s8 =	simm.s32 @!p1 $0x2  }
0xc2: {  	p2 =	sgt.u32 @!p0 s7, $0x1E84;
	_ =	swait.ge @!p1 [sflag:s8], $0x2000  }
0xc3: {  	p0 =	por p2, p0;
	[sflag:s8] =	ssyncset.done @!p1 $0x0  }
0xc4: {  	s7 =	sshll.u32 @!p0 s7, $0x7;
	s12 =	simm.s32 @!p0 $0x7A1400;
	s13 =	simm.s32 @!p0 $0x12280  }
0xc5: {  	[sflag:s8] =	ssyncadd.s32 @!p1 $0xFFFFE000;
	s7 =	sadd.s32 @!p0 s2, s7;
	s8 =	simm.s32 @!p0 $0x400  }
0xc6: {  	[tilespmem:s13], [sflag:$0x2] =	stream.strided.gather @!p0 [hbm4b:s7+s8], $0x2000, s12, s8, $0x38;
	[tilespmem:$0x18380] =	vst v63  }
0xc7: {  	v11 =	vld [tilespmem:s1+$0x10100];
	_ =	sdelay $0x4  }
0xc8: {  	(v2sf) =	vpush v11, $0x1  }
0xc9: {  	(v2sf) =	vpush v11, $0x2;
	_ =	sdelay $0xd  }
0xca: {  	s7 =	spop (v2sf)  }
0xcb: {  	s8 =	spop (v2sf)  }
0xcc: {  	p0 =	sle.s32 s8, s7  }
.Ltmp6:
0xcd: {  	_ = 	snop;
	(pc) =	sbr.rel @p0 .LBB2_12-.Ltmp6, $1  }
0xce: {  	_ =	sdelay $0x3  }
0xcf: {  	s1 =	sshll.u32 s7, $0x2  }
0xd0: {  	s12 =	sshra.s32 s1, $0x2  }
0xd1: {  	v11 =	vld [tilespmem:s12+$0x0];
	_ =	sdelay $0x4  }
0xd2: {  	(v2sf) =	vpush v11, $0x0;
	_ =	sdelay $0xe  }
0xd3: {  	s22 =	spop (v2sf)  }
0xd4: {  	s13 =	sand.u32 $0x7F, s22  }
0xd5: {  	v11 =	vor.u32 s13, v1;
	_ =	sdelay $0x4  }
0xd6: {  	v11 =	vld.idx.msk [tilespmem:v11+s26+$0x0], $0xffff  }
0xd7: {  	v12 =	vor.u32 s13, v5;
	_ =	sdelay $0x1  }
0xd8: {  	s17 =	sshll.u32 s6, $0x9  }
0xd9: {  	s17 =	sshra.s32 s17, $0x2;
	s1 =	sadd.s32 $0x8080, s12  }
0xda: {  	v13 =	vld [tilespmem:s1+$0x0];
	[tilespmem:s17+$0x14280] =	vst v11  }
0xdb: {  	v11 =	vld.idx.msk [tilespmem:v12+s26+$0x0], $0xffff  }
0xdc: {  	v62 =	vor.u32 s13, v6;
	_ =	sdelay $0x3  }
0xdd: {  	[tilespmem:s17+$0x14290] =	vst v11  }
0xde: {  	v11 =	vld.idx.msk [tilespmem:v62+s26+$0x0], $0xffff  }
0xdf: {  	v63 =	vor.u32 s13, v7;
	_ =	sdelay $0x3  }
0xe0: {  	[tilespmem:s17+$0x142A0] =	vst v11  }
0xe1: {  	v11 =	vld.idx.msk [tilespmem:v63+s26+$0x0], $0xffff;
	_ =	sdelay $0x1  }
0xe2: {  	s28 =	ssub.s32 s8, s7  }
0xe3: {  	s7 =	sadd.s32 $0xFFFFFFFF, s28  }
0xe4: {  	s8 =	sadd.s32 $0x1, s6;
	p0 =	sne.s32 s7, $0x0  }
.Ltmp7:
0xe5: {  	p1 =	sne.s32 s8, $0x80;
	[tilespmem:s17+$0x142B0] =	vst v11;
	(pc) =	sbr.rel @!p0 .LBB2_11-.Ltmp7, $4  }
0xe6: {  	s18 =	simm.s32 @!p1 $0x14280;
	s13 =	simm.s32 @!p1 $0x80;
	s17 =	simm.s32 @!p1 $0x18280;
	[tilespmem:s6+$0x18280] =	vst v13  }
0xe7: {  	[hbm4b:s9+s13] =	stream.indirect.scatter @!p1 [tilespmem:s18], [sflag:$0x3], $0x80, s17, s13, $0xb8;
	[tilespmem:$0x18380] =	vst v63  }
0xe8: {  	s8 =	simm.s32 @!p1 $0x0;
	s13 =	simm.s32 @!p1 $0x3  }
0xe9: {  	s12 =	sadd.s32 $0x1, s12;
	s6 =	smov.u32 s8;
	_ =	swait.ge @!p1 [sflag:s13], $0x4000  }
.LBB2_10:
0xea: {  	s7 =	sadd.s32 $0xFFFFFFFF, s7;
	[sflag:s13] =	ssyncset.done @!p1 $0x0;
	s1 =	sadd.s32 $0x1, s1  }
0xeb: {  	p0 =	sne.s32 s7, $0x0;
	[sflag:s13] =	ssyncadd.s32 @!p1 $0xFFFFC000  }
0xec: {  	v11 =	vld [tilespmem:s12+$0x0];
	_ =	sdelay $0x4  }
0xed: {  	(v2sf) =	vpush v11, $0x0;
	_ =	sdelay $0xe  }
0xee: {  	s6 =	spop (v2sf)  }
0xef: {  	s6 =	sand.u32 $0x7F, s6  }
0xf0: {  	v11 =	vor.u32 s6, v1;
	_ =	sdelay $0x4  }
0xf1: {  	v11 =	vld.idx.msk [tilespmem:v11+s26+$0x0], $0xffff  }
0xf2: {  	v12 =	vor.u32 s6, v5;
	_ =	sdelay $0x1  }
0xf3: {  	s13 =	sshll.u32 s8, $0x9  }
0xf4: {  	s13 =	sshra.s32 s13, $0x2;
	v13 =	vld [tilespmem:s1+$0x0];
	_ =	sdelay $0x1  }
0xf5: {  	[tilespmem:s13+$0x14280] =	vst v11  }
0xf6: {  	v11 =	vld.idx.msk [tilespmem:v12+s26+$0x0], $0xffff  }
0xf7: {  	v12 =	vor.u32 s6, v6;
	_ =	sdelay $0x4  }
0xf8: {  	[tilespmem:s13+$0x14290] =	vst v11  }
0xf9: {  	v11 =	vld.idx.msk [tilespmem:v12+s26+$0x0], $0xffff  }
0xfa: {  	v12 =	vor.u32 s6, v7;
	_ =	sdelay $0x4  }
0xfb: {  	[tilespmem:s13+$0x142A0] =	vst v11  }
0xfc: {  	v11 =	vld.idx.msk [tilespmem:v12+s26+$0x0], $0xffff;
	_ =	sdelay $0x3  }
0xfd: {  	s6 =	sadd.s32 $0x1, s8  }
.Ltmp8:
0xfe: {  	p1 =	sne.s32 s6, $0x80;
	(pc) =	sbr.rel @p0 .LBB2_10-.Ltmp8, $4  }
0xff: {  	s17 =	simm.s32 @!p1 $0x80;
	s18 =	simm.s32 @!p1 $0x18280;
	s22 =	simm.s32 @!p1 $0x14280;
	[tilespmem:s13+$0x142B0] =	vst v11  }
0x100: {  	s6 =	simm.s32 @!p1 $0x0;
	s13 =	simm.s32 @!p1 $0x3;
	[tilespmem:s8+$0x18280] =	vst v13  }
0x101: {  	[hbm4b:s9+s17] =	stream.indirect.scatter @!p1 [tilespmem:s22], [sflag:$0x3], $0x80, s18, s17, $0xb8;
	[tilespmem:$0x18380] =	vst v63  }
0x102: {  	s12 =	sadd.s32 $0x1, s12;
	s8 =	smov.u32 s6;
	_ =	swait.ge @!p1 [sflag:s13], $0x4000  }
.Ltmp9:
0x103: {  	_ = 	snop;
	(pc) =	sbr.rel .LBB2_11-.Ltmp9, $1  }
0x104: {  	_ =	sdelay $0x3  }
.LBB2_13:
0x105: {  	s1 =	simm.s32 $0x18280  }
0x106: {  	v11 =	vmov s6;
	s4 =	simm.s32 $0x0;
	s6 =	simm.s32 $0x10;
	v12 =	vld [tilespmem:s1+$0x0]  }
.LBB2_14:
0x107: {  	p0 =	sne.s32 s6, $0x70;
	_ =	sdelay $0x1  }
.Ltmp10:
0x108: {  	v13 =	vor.u32 s4, v0;
	(pc) =	sbr.rel @p0 .LBB2_14-.Ltmp10, $4  }
0x109: {  	vm0 =	vlt.s32 v13, v11;
	v13 =	vor.u32 s4, v8;
	s4 =	smov.u32 s6  }
0x10a: {  	v12 =	vsel vm0, v12, v13  }
0x10b: {  	[tilespmem:s1+$0x0] =	vst v12;
	s1 =	sadd.s32 $0x10, s1  }
0x10c: {  	s6 =	sadd.s32 $0x10, s6;
	v12 =	vld [tilespmem:s1+$0x0]  }
0x10d: {  	_ =	sdelay $0x1  }
0x10e: {  	v13 =	vor.u32 s4, v0  }
0x10f: {  	vm0 =	vlt.s32 v13, v11;
	v11 =	vor.u32 s4, v8  }
0x110: {  	v11 =	vsel vm0, v12, v11  }
0x111: {  	s18 =	simm.s32 $0x80;
	[tilespmem:s1+$0x0] =	vst v11  }
0x112: {  	[hbm4b:s9+s18] =	stream.indirect.scatter [tilespmem:s30], [sflag:$0x3], $0x80, s29, s18, $0xb8;
	[tilespmem:$0x18380] =	vst v63  }
0x113: {  	_ =	swait.ge [sflag:s31], $0x4000  }
0x114: {  	[sflag:s31] =	ssyncset.done $0x0  }
0x115: {  	s1 =	simm.s32 $0x0;
	s22 =	rddreg [dreg:$0x5];
	[sflag:s31] =	ssyncadd.s32 $0xFFFFC000  }
0x116: {  	[tilespmem:s1], [sflag:$0x4] =	stream.linear.gather [hbm4b:s22+s1], $0x8080, $0x38;
	[tilespmem:$0x18380] =	vst v63  }
0x117: {  	_ =	swait.ge [sflag:s21], $0x8080  }
0x118: {  	[sflag:s21] =	ssyncset.done $0x0  }
0x119: {  	s6 =	simm.s32 $0x8080;
	s28 =	rddreg [dreg:$0x6];
	[sflag:s21] =	ssyncadd.s32 $0xFFFF7F80  }
0x11a: {  	[tilespmem:s6], [sflag:$0x4] =	stream.linear.gather [hbm4b:s28+s1], $0x8080, $0x38;
	[tilespmem:$0x18380] =	vst v63  }
0x11b: {  	_ =	swait.ge [sflag:s21], $0x8080  }
0x11c: {  	[sflag:s21] =	ssyncset.done $0x0  }
0x11d: {  	s4 =	smov.u32 s20;
	[sflag:s21] =	ssyncadd.s32 $0xFFFF7F80  }
.LBB2_16:
0x11e: {  	v11 =	vld.idx.msk [tilespmem:v9+s5+$0x0], $0xffff;
	_ =	sdelay $0x1  }
0x11f: {  	v12 =	vmov s4  }
0x120: {  	v12 =	vshll.u32 v12, $0x7  }
0x121: {  	v12 =	vadd.s32 v1, v12  }
0x122: {  	vm0 =	vlt.s32 v11, v12  }
0x123: {  	v11 =	vsel vm0, $0x600C, v10;
	_ =	sdelay $0x4  }
0x124: {  	v13 =	vld.idx.msk [tilespmem:v11+s5+$0x0], $0xffff;
	_ =	sdelay $0x4  }
0x125: {  	v14 =	vsel vm0, $0x8010, v9;
	vm1 =	vlt.s32 v13, v12  }
0x126: {  	v38 =	vsel vm0, $0x4009, v3;
	v15 =	vor.u32 $0x1, v11;
	v11 =	vsel vm1, v14, v11  }
0x127: {  	v13 =	vsel vm1, v15, v38;
	v14 =	vadd.s32 $0xFFFFFFFF, v11  }
0x128: {  	v15 =	vxor.u32 v14, v13  }
0x129: {  	v14 =	vor.u32 v14, v13;
	v15 =	vshrl.u32 v15, $0x1  }
0x12a: {  	v14 =	vsub.s32 v14, v15;
	_ =	sdelay $0x4  }
0x12b: {  	v15 =	vld.idx.msk [tilespmem:v14+s5+$0x0], $0xffff;
	_ =	sdelay $0x4  }
0x12c: {  	v39 =	vor.u32 $0x1, v14;
	vm14 =	vlt.s32 v15, v12  }
0x12d: {  	v13 =	vsel vm14, v39, v13;
	v11 =	vsel vm14, v11, v14  }
0x12e: {  	v14 =	vxor.u32 v13, v11  }
0x12f: {  	v15 =	vand.u32 v13, v11;
	v14 =	vshrl.u32 v14, $0x1  }
0x130: {  	v14 =	vadd.s32 v14, v15;
	_ =	sdelay $0x4  }
0x131: {  	v15 =	vld.idx.msk [tilespmem:v14+s5+$0x0], $0xffff;
	_ =	sdelay $0x4  }
0x132: {  	v40 =	vadd.s32 $0x1, v14;
	vm15 =	vlt.s32 v15, v12  }
0x133: {  	v13 =	vsel vm15, v40, v13;
	v11 =	vsel vm15, v11, v14  }
0x134: {  	v14 =	vadd.s32 v13, v11  }
0x135: {  	v14 =	vshrl.u32 v14, $0x1;
	_ =	sdelay $0x4  }
0x136: {  	v41 =	vld.idx.msk [tilespmem:v14+s5+$0x0], $0xffff;
	_ =	sdelay $0x4  }
0x137: {  	v42 =	vadd.s32 $0x1, v14;
	vm4 =	vlt.s32 v41, v12  }
0x138: {  	v13 =	vsel vm4, v42, v13;
	v11 =	vsel vm4, v11, v14  }
0x139: {  	v14 =	vadd.s32 v13, v11  }
0x13a: {  	v14 =	vshrl.u32 v14, $0x1;
	_ =	sdelay $0x4  }
0x13b: {  	v43 =	vld.idx.msk [tilespmem:v14+s5+$0x0], $0xffff;
	_ =	sdelay $0x4  }
0x13c: {  	v44 =	vadd.s32 $0x1, v14;
	vm5 =	vlt.s32 v43, v12  }
0x13d: {  	v13 =	vsel vm5, v44, v13;
	v11 =	vsel vm5, v11, v14  }
0x13e: {  	v14 =	vadd.s32 v13, v11  }
0x13f: {  	v14 =	vshrl.u32 v14, $0x1;
	_ =	sdelay $0x4  }
0x140: {  	v45 =	vld.idx.msk [tilespmem:v14+s5+$0x0], $0xffff;
	_ =	sdelay $0x4  }
0x141: {  	v46 =	vadd.s32 $0x1, v14;
	vm6 =	vlt.s32 v45, v12  }
0x142: {  	v13 =	vsel vm6, v46, v13;
	v11 =	vsel vm6, v11, v14  }
0x143: {  	v14 =	vadd.s32 v13, v11  }
0x144: {  	v14 =	vshrl.u32 v14, $0x1;
	_ =	sdelay $0x4  }
0x145: {  	v47 =	vld.idx.msk [tilespmem:v14+s5+$0x0], $0xffff;
	_ =	sdelay $0x4  }
0x146: {  	v48 =	vadd.s32 $0x1, v14;
	vm7 =	vlt.s32 v47, v12  }
0x147: {  	v13 =	vsel vm7, v48, v13;
	v11 =	vsel vm7, v11, v14  }
0x148: {  	v14 =	vadd.s32 v13, v11  }
0x149: {  	v14 =	vshrl.u32 v14, $0x1;
	_ =	sdelay $0x4  }
0x14a: {  	v49 =	vld.idx.msk [tilespmem:v14+s5+$0x0], $0xffff;
	_ =	sdelay $0x4  }
0x14b: {  	v50 =	vadd.s32 $0x1, v14;
	vm8 =	vlt.s32 v49, v12  }
0x14c: {  	v13 =	vsel vm8, v50, v13;
	v11 =	vsel vm8, v11, v14  }
0x14d: {  	v14 =	vadd.s32 v13, v11  }
0x14e: {  	v14 =	vshrl.u32 v14, $0x1;
	_ =	sdelay $0x4  }
0x14f: {  	v51 =	vld.idx.msk [tilespmem:v14+s5+$0x0], $0xffff;
	_ =	sdelay $0x4  }
0x150: {  	v52 =	vadd.s32 $0x1, v14;
	vm9 =	vlt.s32 v51, v12  }
0x151: {  	v13 =	vsel vm9, v52, v13;
	v11 =	vsel vm9, v11, v14  }
0x152: {  	v14 =	vadd.s32 v13, v11  }
0x153: {  	v14 =	vshrl.u32 v14, $0x1;
	_ =	sdelay $0x4  }
0x154: {  	v53 =	vld.idx.msk [tilespmem:v14+s5+$0x0], $0xffff;
	_ =	sdelay $0x4  }
0x155: {  	v54 =	vadd.s32 $0x1, v14;
	vm10 =	vlt.s32 v53, v12  }
0x156: {  	v13 =	vsel vm10, v54, v13;
	v11 =	vsel vm10, v11, v14  }
0x157: {  	v14 =	vadd.s32 v13, v11  }
0x158: {  	v14 =	vshrl.u32 v14, $0x1;
	_ =	sdelay $0x4  }
0x159: {  	v55 =	vld.idx.msk [tilespmem:v14+s5+$0x0], $0xffff;
	_ =	sdelay $0x4  }
0x15a: {  	v56 =	vadd.s32 $0x1, v14;
	vm11 =	vlt.s32 v55, v12  }
0x15b: {  	v13 =	vsel vm11, v56, v13;
	v11 =	vsel vm11, v11, v14  }
0x15c: {  	v14 =	vadd.s32 v13, v11  }
0x15d: {  	v14 =	vshrl.u32 v14, $0x1;
	_ =	sdelay $0x4  }
0x15e: {  	v57 =	vld.idx.msk [tilespmem:v14+s5+$0x0], $0xffff;
	_ =	sdelay $0x4  }
0x15f: {  	v58 =	vadd.s32 $0x1, v14;
	vm12 =	vlt.s32 v57, v12  }
0x160: {  	v13 =	vsel vm12, v58, v13;
	v11 =	vsel vm12, v11, v14  }
0x161: {  	v14 =	vadd.s32 v13, v11  }
0x162: {  	v14 =	vshrl.u32 v14, $0x1;
	_ =	sdelay $0x4  }
0x163: {  	v59 =	vld.idx.msk [tilespmem:v14+s5+$0x0], $0xffff;
	_ =	sdelay $0x4  }
0x164: {  	v60 =	vadd.s32 $0x1, v14;
	vm13 =	vlt.s32 v59, v12  }
0x165: {  	v13 =	vsel vm13, v60, v13;
	v11 =	vsel vm13, v11, v14  }
0x166: {  	v14 =	vadd.s32 v13, v11  }
0x167: {  	v14 =	vshrl.u32 v14, $0x1;
	_ =	sdelay $0x4  }
0x168: {  	v61 =	vld.idx.msk [tilespmem:v14+s5+$0x0], $0xffff;
	_ =	sdelay $0x4  }
0x169: {  	v62 =	vadd.s32 $0x1, v14;
	vm14 =	vlt.s32 v61, v12  }
0x16a: {  	v13 =	vsel vm14, v62, v13;
	v11 =	vsel vm14, v11, v14  }
0x16b: {  	v11 =	vadd.s32 v13, v11  }
0x16c: {  	v11 =	vshrl.u32 v11, $0x1;
	_ =	sdelay $0x4  }
0x16d: {  	v63 =	vld.idx.msk [tilespmem:v11+s5+$0x0], $0xffff;
	_ =	sdelay $0x1  }
0x16e: {  	p0 =	sne.s32 s1, $0x400  }
.Ltmp11:
0x16f: {  	_ = 	snop;
	(pc) =	sbr.rel @p0 .LBB2_16-.Ltmp11, $4  }
0x170: {  	_ = 	snop  }
0x171: {  	v11 =	vadd.s32 $0x1, v11;
	vm15 =	vlt.s32 v63, v12  }
0x172: {  	s6 =	sshra.s32 s1, $0x2;
	v11 =	vsel vm15, v11, v13  }
0x173: {  	s4 =	sadd.s32 $0x10, s4;
	s1 =	sadd.s32 $0x40, s1;
	[tilespmem:s6+$0x10100] =	vst v11  }
.Ltmp12:
0x174: {  	(pc) =	sbr.rel .LBB2_18-.Ltmp12, $4  }
0x175: {  	s1 =	rddreg [dreg:$0x9]  }
0x176: {  	[tilespmem:s25], [sflag:$0x1] =	stream.strided.gather [hbm4b:s1+s23], $0x2000, s24, s23, $0x38;
	[tilespmem:$0x18380] =	vst v63  }
0x177: {  	s28 =	rddreg [dreg:$0xa];
	s6 =	simm.s32 $0x0;
	s4 =	simm.s32 $0x0  }
0x178: {  	[tilespmem:s26], [sflag:$0x2] =	stream.strided.gather [hbm4b:s28+s23], $0x2000, s24, s23, $0x38;
	[tilespmem:$0x18380] =	vst v63  }
.LBB2_25:
0x179: {  	[sflag:s13] =	ssyncset.done @!p1 $0x0  }
0x17a: {  	[sflag:s13] =	ssyncadd.s32 @!p1 $0xFFFFC000  }
.LBB2_26:
0x17b: {  	s4 =	sadd.s32 $0x1, s4  }
0x17c: {  	p0 =	seq.s32 s4, $0x7C  }
.Ltmp13:
0x17d: {  	_ = 	snop;
	(pc) =	sbr.rel @p0 .LBB2_27-.Ltmp13, $1  }
0x17e: {  	_ =	sdelay $0x3  }
.LBB2_18:
0x17f: {  	s1 =	sshll.u32 s4, $0x1  }
0x180: {  	s7 =	sadd.s32 s11, s1  }
0x181: {  	p1 =	sgt.u32 s7, $0x1E84  }
0x182: {  	p0 =	seq.s32 s4, $0x7B;
	s7 =	sadd.s32 s1, s14;
	s8 =	simm.s32 @!p1 $0x1  }
0x183: {  	p2 =	sgt.u32 @!p0 s7, $0x1E84;
	_ =	swait.ge @!p1 [sflag:s8], $0x2000  }
0x184: {  	p2 =	por p2, p0;
	[sflag:s8] =	ssyncset.done @!p1 $0x0  }
0x185: {  	s7 =	sshll.u32 @!p2 s7, $0x7;
	s12 =	simm.s32 @!p2 $0x7A1400;
	s13 =	simm.s32 @!p2 $0x10280  }
0x186: {  	[sflag:s8] =	ssyncadd.s32 @!p1 $0xFFFFE000;
	s7 =	sadd.s32 @!p2 s3, s7;
	s8 =	simm.s32 @!p2 $0x400  }
0x187: {  	[tilespmem:s13], [sflag:$0x1] =	stream.strided.gather @!p2 [hbm4b:s7+s8], $0x2000, s12, s8, $0x38;
	[tilespmem:$0x18380] =	vst v63  }
0x188: {  	v11 =	vld [tilespmem:s1+$0x10100];
	_ =	sdelay $0x4  }
0x189: {  	(v2sf) =	vpush v11, $0x0  }
0x18a: {  	(v2sf) =	vpush v11, $0x1;
	_ =	sdelay $0xd  }
0x18b: {  	s8 =	spop (v2sf)  }
0x18c: {  	s12 =	spop (v2sf)  }
0x18d: {  	p1 =	sle.s32 s12, s8  }
.Ltmp14:
0x18e: {  	_ = 	snop;
	(pc) =	sbr.rel @p1 .LBB2_22-.Ltmp14, $1  }
0x18f: {  	_ =	sdelay $0x3  }
0x190: {  	s7 =	sshll.u32 s8, $0x2  }
0x191: {  	s17 =	sshra.s32 s7, $0x2  }
0x192: {  	v11 =	vld [tilespmem:s17+$0x0];
	_ =	sdelay $0x4  }
0x193: {  	(v2sf) =	vpush v11, $0x0;
	_ =	sdelay $0xe  }
0x194: {  	s22 =	spop (v2sf)  }
0x195: {  	s13 =	sand.u32 $0x7F, s22  }
0x196: {  	v11 =	vor.u32 s13, v1;
	_ =	sdelay $0x4  }
0x197: {  	v11 =	vld.idx.msk [tilespmem:v11+s25+$0x0], $0xffff  }
0x198: {  	v12 =	vor.u32 s13, v5;
	_ =	sdelay $0x1  }
0x199: {  	s18 =	sshll.u32 s6, $0x9  }
0x19a: {  	s18 =	sshra.s32 s18, $0x2;
	s7 =	sadd.s32 $0x8080, s17  }
0x19b: {  	v13 =	vld [tilespmem:s7+$0x0];
	[tilespmem:s18+$0x14280] =	vst v11  }
0x19c: {  	v11 =	vld.idx.msk [tilespmem:v12+s25+$0x0], $0xffff  }
0x19d: {  	v62 =	vor.u32 s13, v6;
	_ =	sdelay $0x3  }
0x19e: {  	[tilespmem:s18+$0x14290] =	vst v11  }
0x19f: {  	v11 =	vld.idx.msk [tilespmem:v62+s25+$0x0], $0xffff  }
0x1a0: {  	v63 =	vor.u32 s13, v7;
	_ =	sdelay $0x3  }
0x1a1: {  	[tilespmem:s18+$0x142A0] =	vst v11  }
0x1a2: {  	v11 =	vld.idx.msk [tilespmem:v63+s25+$0x0], $0xffff;
	_ =	sdelay $0x1  }
0x1a3: {  	s28 =	ssub.s32 s12, s8  }
0x1a4: {  	s8 =	sadd.s32 $0xFFFFFFFF, s28  }
0x1a5: {  	p1 =	sne.s32 s8, $0x0;
	s22 =	sadd.s32 $0x1, s6  }
.Ltmp15:
0x1a6: {  	p2 =	sne.s32 s22, $0x80;
	[tilespmem:s18+$0x142B0] =	vst v11;
	(pc) =	sbr.rel @!p1 .LBB2_21-.Ltmp15, $4  }
0x1a7: {  	s12 =	simm.s32 @!p2 $0x80;
	s13 =	simm.s32 @!p2 $0x18280;
	s18 =	simm.s32 @!p2 $0x14280;
	[tilespmem:s6+$0x18280] =	vst v13  }
0x1a8: {  	[hbm4b:s10+s12] =	stream.indirect.scatter @!p2 [tilespmem:s18], [sflag:$0x3], $0x80, s13, s12, $0xb8;
	[tilespmem:$0x18380] =	vst v63  }
0x1a9: {  	s22 =	simm.s32 @!p2 $0x0;
	s13 =	simm.s32 @!p2 $0x3  }
0x1aa: {  	s6 =	smov.u32 s22;
	s12 =	sadd.s32 $0x1, s17;
	_ =	swait.ge @!p2 [sflag:s13], $0x4000  }
.LBB2_20:
0x1ab: {  	s8 =	sadd.s32 $0xFFFFFFFF, s8;
	[sflag:s13] =	ssyncset.done @!p2 $0x0;
	s7 =	sadd.s32 $0x1, s7  }
0x1ac: {  	p1 =	sne.s32 s8, $0x0;
	[sflag:s13] =	ssyncadd.s32 @!p2 $0xFFFFC000  }
0x1ad: {  	v11 =	vld [tilespmem:s12+$0x0];
	_ =	sdelay $0x4  }
0x1ae: {  	(v2sf) =	vpush v11, $0x0;
	_ =	sdelay $0xe  }
0x1af: {  	s6 =	spop (v2sf)  }
0x1b0: {  	s6 =	sand.u32 $0x7F, s6  }
0x1b1: {  	v11 =	vor.u32 s6, v1;
	_ =	sdelay $0x4  }
0x1b2: {  	v11 =	vld.idx.msk [tilespmem:v11+s25+$0x0], $0xffff  }
0x1b3: {  	v12 =	vor.u32 s6, v5;
	_ =	sdelay $0x1  }
0x1b4: {  	s13 =	sshll.u32 s22, $0x9  }
0x1b5: {  	s13 =	sshra.s32 s13, $0x2;
	v13 =	vld [tilespmem:s7+$0x0];
	_ =	sdelay $0x1  }
0x1b6: {  	[tilespmem:s13+$0x14280] =	vst v11  }
0x1b7: {  	v11 =	vld.idx.msk [tilespmem:v12+s25+$0x0], $0xffff  }
0x1b8: {  	v12 =	vor.u32 s6, v6;
	_ =	sdelay $0x4  }
0x1b9: {  	[tilespmem:s13+$0x14290] =	vst v11  }
0x1ba: {  	v11 =	vld.idx.msk [tilespmem:v12+s25+$0x0], $0xffff  }
0x1bb: {  	v12 =	vor.u32 s6, v7;
	_ =	sdelay $0x4  }
0x1bc: {  	[tilespmem:s13+$0x142A0] =	vst v11  }
0x1bd: {  	v11 =	vld.idx.msk [tilespmem:v12+s25+$0x0], $0xffff;
	_ =	sdelay $0x3  }
0x1be: {  	s6 =	sadd.s32 $0x1, s22  }
.Ltmp16:
0x1bf: {  	p2 =	sne.s32 s6, $0x80;
	(pc) =	sbr.rel @p1 .LBB2_20-.Ltmp16, $4  }
0x1c0: {  	s17 =	simm.s32 @!p2 $0x80;
	s18 =	simm.s32 @!p2 $0x18280;
	s28 =	simm.s32 @!p2 $0x14280;
	[tilespmem:s13+$0x142B0] =	vst v11  }
0x1c1: {  	s6 =	simm.s32 @!p2 $0x0;
	s13 =	simm.s32 @!p2 $0x3;
	[tilespmem:s22+$0x18280] =	vst v13  }
0x1c2: {  	[hbm4b:s10+s17] =	stream.indirect.scatter @!p2 [tilespmem:s28], [sflag:$0x3], $0x80, s18, s17, $0xb8;
	[tilespmem:$0x18380] =	vst v63  }
0x1c3: {  	s12 =	sadd.s32 $0x1, s12;
	s22 =	smov.u32 s6;
	_ =	swait.ge @!p2 [sflag:s13], $0x4000  }
.LBB2_21:
0x1c4: {  	[sflag:s13] =	ssyncset.done @!p2 $0x0  }
0x1c5: {  	[sflag:s13] =	ssyncadd.s32 @!p2 $0xFFFFC000  }
.LBB2_22:
0x1c6: {  	s7 =	sadd.s32 s1, s15  }
0x1c7: {  	p1 =	sgt.u32 s7, $0x1E84  }
0x1c8: {  	s7 =	sadd.s32 s1, s16;
	s8 =	simm.s32 @!p1 $0x2  }
0x1c9: {  	p2 =	sgt.u32 @!p0 s7, $0x1E84;
	_ =	swait.ge @!p1 [sflag:s8], $0x2000  }
0x1ca: {  	p0 =	por p2, p0;
	[sflag:s8] =	ssyncset.done @!p1 $0x0  }
0x1cb: {  	s7 =	sshll.u32 @!p0 s7, $0x7;
	s12 =	simm.s32 @!p0 $0x7A1400;
	s13 =	simm.s32 @!p0 $0x12280  }
0x1cc: {  	[sflag:s8] =	ssyncadd.s32 @!p1 $0xFFFFE000;
	s7 =	sadd.s32 @!p0 s3, s7;
	s8 =	simm.s32 @!p0 $0x400  }
0x1cd: {  	[tilespmem:s13], [sflag:$0x2] =	stream.strided.gather @!p0 [hbm4b:s7+s8], $0x2000, s12, s8, $0x38;
	[tilespmem:$0x18380] =	vst v63  }
0x1ce: {  	v11 =	vld [tilespmem:s1+$0x10100];
	_ =	sdelay $0x4  }
0x1cf: {  	(v2sf) =	vpush v11, $0x1  }
0x1d0: {  	(v2sf) =	vpush v11, $0x2;
	_ =	sdelay $0xd  }
0x1d1: {  	s7 =	spop (v2sf)  }
0x1d2: {  	s8 =	spop (v2sf)  }
0x1d3: {  	p0 =	sle.s32 s8, s7  }
.Ltmp17:
0x1d4: {  	_ = 	snop;
	(pc) =	sbr.rel @p0 .LBB2_26-.Ltmp17, $1  }
0x1d5: {  	_ =	sdelay $0x3  }
0x1d6: {  	s1 =	sshll.u32 s7, $0x2  }
0x1d7: {  	s12 =	sshra.s32 s1, $0x2  }
0x1d8: {  	v11 =	vld [tilespmem:s12+$0x0];
	_ =	sdelay $0x4  }
0x1d9: {  	(v2sf) =	vpush v11, $0x0;
	_ =	sdelay $0xe  }
0x1da: {  	s22 =	spop (v2sf)  }
0x1db: {  	s13 =	sand.u32 $0x7F, s22  }
0x1dc: {  	v11 =	vor.u32 s13, v1;
	_ =	sdelay $0x4  }
0x1dd: {  	v11 =	vld.idx.msk [tilespmem:v11+s26+$0x0], $0xffff  }
0x1de: {  	v12 =	vor.u32 s13, v5;
	_ =	sdelay $0x1  }
0x1df: {  	s17 =	sshll.u32 s6, $0x9  }
0x1e0: {  	s17 =	sshra.s32 s17, $0x2;
	s1 =	sadd.s32 $0x8080, s12  }
0x1e1: {  	v13 =	vld [tilespmem:s1+$0x0];
	[tilespmem:s17+$0x14280] =	vst v11  }
0x1e2: {  	v11 =	vld.idx.msk [tilespmem:v12+s26+$0x0], $0xffff  }
0x1e3: {  	v62 =	vor.u32 s13, v6;
	_ =	sdelay $0x3  }
0x1e4: {  	[tilespmem:s17+$0x14290] =	vst v11  }
0x1e5: {  	v11 =	vld.idx.msk [tilespmem:v62+s26+$0x0], $0xffff  }
0x1e6: {  	v63 =	vor.u32 s13, v7;
	_ =	sdelay $0x3  }
0x1e7: {  	[tilespmem:s17+$0x142A0] =	vst v11  }
0x1e8: {  	v11 =	vld.idx.msk [tilespmem:v63+s26+$0x0], $0xffff;
	_ =	sdelay $0x1  }
0x1e9: {  	s28 =	ssub.s32 s8, s7  }
0x1ea: {  	s7 =	sadd.s32 $0xFFFFFFFF, s28  }
0x1eb: {  	s8 =	sadd.s32 $0x1, s6;
	p0 =	sne.s32 s7, $0x0  }
.Ltmp18:
0x1ec: {  	p1 =	sne.s32 s8, $0x80;
	[tilespmem:s17+$0x142B0] =	vst v11;
	(pc) =	sbr.rel @!p0 .LBB2_25-.Ltmp18, $4  }
0x1ed: {  	s18 =	simm.s32 @!p1 $0x14280;
	s13 =	simm.s32 @!p1 $0x80;
	s17 =	simm.s32 @!p1 $0x18280;
	[tilespmem:s6+$0x18280] =	vst v13  }
0x1ee: {  	[hbm4b:s10+s13] =	stream.indirect.scatter @!p1 [tilespmem:s18], [sflag:$0x3], $0x80, s17, s13, $0xb8;
	[tilespmem:$0x18380] =	vst v63  }
0x1ef: {  	s8 =	simm.s32 @!p1 $0x0;
	s13 =	simm.s32 @!p1 $0x3  }
0x1f0: {  	s12 =	sadd.s32 $0x1, s12;
	s6 =	smov.u32 s8;
	_ =	swait.ge @!p1 [sflag:s13], $0x4000  }
.LBB2_24:
0x1f1: {  	s7 =	sadd.s32 $0xFFFFFFFF, s7;
	[sflag:s13] =	ssyncset.done @!p1 $0x0;
	s1 =	sadd.s32 $0x1, s1  }
0x1f2: {  	p0 =	sne.s32 s7, $0x0;
	[sflag:s13] =	ssyncadd.s32 @!p1 $0xFFFFC000  }
0x1f3: {  	v11 =	vld [tilespmem:s12+$0x0];
	_ =	sdelay $0x4  }
0x1f4: {  	(v2sf) =	vpush v11, $0x0;
	_ =	sdelay $0xe  }
0x1f5: {  	s6 =	spop (v2sf)  }
0x1f6: {  	s6 =	sand.u32 $0x7F, s6  }
0x1f7: {  	v11 =	vor.u32 s6, v1;
	_ =	sdelay $0x4  }
0x1f8: {  	v11 =	vld.idx.msk [tilespmem:v11+s26+$0x0], $0xffff  }
0x1f9: {  	v12 =	vor.u32 s6, v5;
	_ =	sdelay $0x1  }
0x1fa: {  	s13 =	sshll.u32 s8, $0x9  }
0x1fb: {  	s13 =	sshra.s32 s13, $0x2;
	v13 =	vld [tilespmem:s1+$0x0];
	_ =	sdelay $0x1  }
0x1fc: {  	[tilespmem:s13+$0x14280] =	vst v11  }
0x1fd: {  	v11 =	vld.idx.msk [tilespmem:v12+s26+$0x0], $0xffff  }
0x1fe: {  	v12 =	vor.u32 s6, v6;
	_ =	sdelay $0x4  }
0x1ff: {  	[tilespmem:s13+$0x14290] =	vst v11  }
0x200: {  	v11 =	vld.idx.msk [tilespmem:v12+s26+$0x0], $0xffff  }
0x201: {  	v12 =	vor.u32 s6, v7;
	_ =	sdelay $0x4  }
0x202: {  	[tilespmem:s13+$0x142A0] =	vst v11  }
0x203: {  	v11 =	vld.idx.msk [tilespmem:v12+s26+$0x0], $0xffff;
	_ =	sdelay $0x3  }
0x204: {  	s6 =	sadd.s32 $0x1, s8  }
.Ltmp19:
0x205: {  	p1 =	sne.s32 s6, $0x80;
	(pc) =	sbr.rel @p0 .LBB2_24-.Ltmp19, $4  }
0x206: {  	s17 =	simm.s32 @!p1 $0x80;
	s18 =	simm.s32 @!p1 $0x18280;
	s22 =	simm.s32 @!p1 $0x14280;
	[tilespmem:s13+$0x142B0] =	vst v11  }
0x207: {  	s6 =	simm.s32 @!p1 $0x0;
	s13 =	simm.s32 @!p1 $0x3;
	[tilespmem:s8+$0x18280] =	vst v13  }
0x208: {  	[hbm4b:s10+s17] =	stream.indirect.scatter @!p1 [tilespmem:s22], [sflag:$0x3], $0x80, s18, s17, $0xb8;
	[tilespmem:$0x18380] =	vst v63  }
0x209: {  	s12 =	sadd.s32 $0x1, s12;
	s8 =	smov.u32 s6;
	_ =	swait.ge @!p1 [sflag:s13], $0x4000  }
.Ltmp20:
0x20a: {  	_ = 	snop;
	(pc) =	sbr.rel .LBB2_25-.Ltmp20, $1  }
0x20b: {  	_ =	sdelay $0x3  }
.LBB2_27:
0x20c: {  	s1 =	simm.s32 $0x18280  }
0x20d: {  	v11 =	vmov s6;
	s4 =	simm.s32 $0x0;
	s6 =	simm.s32 $0x10;
	v12 =	vld [tilespmem:s1+$0x0]  }
.LBB2_28:
0x20e: {  	p0 =	sne.s32 s6, $0x70;
	_ =	sdelay $0x1  }
.Ltmp21:
0x20f: {  	v14 =	vor.u32 s4, v0;
	v13 =	vor.u32 $0x8000, v0;
	(pc) =	sbr.rel @p0 .LBB2_28-.Ltmp21, $4  }
0x210: {  	vm0 =	vlt.s32 v14, v11;
	v14 =	vor.u32 s4, v13;
	s4 =	smov.u32 s6  }
0x211: {  	v12 =	vsel vm0, v12, v14  }
0x212: {  	[tilespmem:s1+$0x0] =	vst v12;
	s1 =	sadd.s32 $0x10, s1  }
0x213: {  	s6 =	sadd.s32 $0x10, s6;
	v12 =	vld [tilespmem:s1+$0x0]  }
0x214: {  	_ =	sdelay $0x1  }
0x215: {  	v14 =	vor.u32 s4, v0  }
0x216: {  	s0 =	sadd.s32 $0x1, s0;
	vm0 =	vlt.s32 v14, v11;
	v11 =	vor.u32 s4, v13  }
0x217: {  	p0 =	sne.s32 s0, s19;
	v11 =	vsel vm0, v12, v11  }
.Ltmp22:
0x218: {  	s28 =	simm.s32 $0x80;
	[tilespmem:s1+$0x0] =	vst v11;
	(pc) =	sbr.rel @p0 .LBB2_1-.Ltmp22, $4  }
0x219: {  	[hbm4b:s10+s28] =	stream.indirect.scatter [tilespmem:s30], [sflag:$0x3], $0x80, s29, s28, $0xb8;
	[tilespmem:$0x18380] =	vst v63  }
0x21a: {  	_ =	swait.ge [sflag:s31], $0x4000  }
0x21b: {  	[sflag:s31] =	ssyncset.done $0x0  }
0x21c: {  	[sflag:s31] =	ssyncadd.s32 $0xFFFFC000  }
0x21d: {  	_ =	sfence.sel $0x180000  }
0x21e: {  	[bflag:$0x0] =	sbarrier.arrive $0xFFFF  }
0x21f: {  	_ =	strace $0x90000047  }
0x220: {  	s0 =	stileid.u32;
	[bflag:$0x2] =	sbarrier.arrive $0xFFFF  }
0x221: {  	p0 =	sne.s32 s0, $0x0;
	s0 =	rddreg [dreg:$0x3]  }
0x222: {  	s0 =	sadd.s32 @!p0 $0x100000, s0  }
0x223: {  	[sflag:s0] =	ssyncadd.tile.s32 @!p0 $0x1;
	_ =	shalt  }
.Lfunc_end2:
_tile_overlayer_lowered:
.L_overlay_start_2:
0x224: {  	(tag) =	ssettag $0x2  }
0x225: {  	s0 =	rddreg [dreg:$0x0];
	s2 =	stileid.u32  }
0x226: {  	s1 =	rddreg [dreg:$0x1];
	p0 =	sne.s32 s2, $0x0  }
0x227: {  	s3 =	rddreg [dreg:$0x2];
	[bflag:$0x3] =	sbarrier.arrive $0xFFFF;
	s2 =	simm.s32 @!p0 $0x1C04  }
0x228: {  	[timem:s3], [sflag:s2] =	dma.local @!p0 [hbm:s0], s1  }
0x229: {  	s0 =	simm.s32 @!p0 $0x4  }
0x22a: {  	_ =	swait.ge @!p0 [sflag:s0], s1  }
0x22b: {  	s1 =	ssub.s32 @!p0 $0x0, s1;
	[sflag:s0] =	ssyncset.done @!p0 $0x0  }
0x22c: {  	[sflag:s0] =	ssyncadd.s32 @!p0 s1  }
0x22d: {  	[bflag:$0x3] =	sbarrier.arrive $0xFFFF  }
0x22e: {  	_ =	shalt  }

</sc_bundles>
